<compile_context>
chip_gen: v7x
topology: tpu7x:2x2x1
jax: 0.10.2.dev20260603
libtpu: 0.0.44.dev20260713+nightly
codegen_flags: <defaults>
</compile_context>

<pallas_src>
import functools

import jax
import jax.numpy as jnp
from jax import lax
from jax.experimental import pallas as pl
from jax.experimental.pallas import tpu as pltpu
from jax.experimental.pallas import tpu_sc as plsc

_N = 10000
_E = 160000
_D = 128

_NC = 2
_NS = 16

_EPT = _E // _NS
_CH = 80
_NG = _CH // 16
_NCHUNK = _EPT // _CH
_NPAD = 10240
_NBLK = _NPAD // 128
_ZROWS = _NPAD // _NS

_BLK = 2048
_GRID = _NPAD // _BLK
_BB = _BLK // 128

_mesh = plsc.VectorSubcoreMesh(
    core_axis_name="c", subcore_axis_name="s", num_cores=_NC, num_subcores=_NS
)


def _deg_body(srcs4, dsts4, zeros_n, deg_out, sidx2, didx2, h_src, h_dst):
    c = lax.axis_index("c")
    s = lax.axis_index("s")
    pltpu.sync_copy(srcs4.at[c, s], sidx2)
    pltpu.sync_copy(dsts4.at[c, s], didx2)
    pltpu.sync_copy(zeros_n, h_src)
    pltpu.sync_copy(zeros_n, h_dst)
    ones16 = jnp.ones((16,), jnp.float32)

    def body(j, carry):
        for g in range(_NG):
            plsc.addupdate_scatter(h_src, [sidx2[j, pl.ds(g * 16, 16)]], ones16)
            plsc.addupdate_scatter(h_dst, [didx2[j, pl.ds(g * 16, 16)]], ones16)
        return carry

    lax.fori_loop(0, _NCHUNK, body, 0)
    base = ((c * 2 + 0) * _NS + s) * _NPAD
    pltpu.sync_copy(h_src, deg_out.at[pl.ds(base, _NPAD)])
    base1 = ((c * 2 + 1) * _NS + s) * _NPAD
    pltpu.sync_copy(h_dst, deg_out.at[pl.ds(base1, _NPAD)])


def _make_deg_kernel(interpret=False):
    return functools.partial(
        pl.kernel,
        out_type=jax.ShapeDtypeStruct((2 * 2 * _NS * _NPAD,), jnp.float32),
        mesh=_mesh,
        scratch_types=[
            pltpu.VMEM((_NCHUNK, _CH), jnp.int32),
            pltpu.VMEM((_NCHUNK, _CH), jnp.int32),
            pltpu.VMEM((_NPAD,), jnp.float32),
            pltpu.VMEM((_NPAD,), jnp.float32),
        ],
        compiler_params=pltpu.CompilerParams(needs_layout_passes=False),
        interpret=interpret,
    )(_deg_body)


_deg_kernel = _make_deg_kernel()


def _agg_body(y2, src_g, dsts, zbig, agg_out,
              si0, si1, si2, di0, di1, di2, buf0, buf1, buf2, agg_sh,
              sg0, sg1, sg2, ss0, ss1, ss2,
              ssi0, ssi1, ssi2, sdi0, sdi1, sdi2):
    c = lax.axis_index("c")
    s = lax.axis_index("s")
    for k in range(_ZROWS // 128):
        pltpu.sync_copy(zbig, agg_sh.at[pl.ds(s * _ZROWS + k * 128, 128)])
    plsc.subcore_barrier()
    eb = c * _E + s * _EPT

    bufs = (buf0, buf1, buf2)
    sis = (si0, si1, si2)
    dis = (di0, di1, di2)
    sg = (sg0, sg1, sg2)
    ss = (ss0, ss1, ss2)
    ssi = (ssi0, ssi1, ssi2)
    sdi = (sdi0, sdi1, sdi2)

    def fire_si(j, b):
        pltpu.async_copy(src_g.at[pl.ds(eb + j * _CH, _CH)], sis[b], ssi[b])

    def wait_si(b):
        pltpu.make_async_copy(src_g.at[pl.ds(eb, _CH)], sis[b], ssi[b]).wait()

    def fire_di(j, b):
        pltpu.async_copy(dsts.at[pl.ds(eb + j * _CH, _CH)], dis[b], sdi[b])

    def wait_di(b):
        pltpu.make_async_copy(dsts.at[pl.ds(eb, _CH)], dis[b], sdi[b]).wait()

    def fire_gather(b):
        pltpu.async_copy(y2.at[sis[b]], bufs[b], sg[b])

    def wait_gather(b):
        pltpu.make_async_copy(y2.at[sis[b]], bufs[b], sg[b]).wait()

    def fire_scatter(b):
        pltpu.async_copy(bufs[b], agg_sh.at[dis[b]], ss[b], add=True)

    def wait_scatter(b):
        pltpu.make_async_copy(bufs[b], agg_sh.at[dis[b]], ss[b]).wait()

    fire_si(0, 0)
    fire_si(1, 1)
    fire_si(2, 2)
    fire_di(0, 0)
    fire_di(1, 1)
    wait_si(0)
    fire_gather(0)
    wait_si(1)
    fire_gather(1)

    def stage(j, b):
        b2 = (b + 2) % 3
        wait_gather(b)

        @pl.when(j + 3 < _NCHUNK)
        def _():
            fire_si(j + 3, b)
        wait_di(b)
        fire_scatter(b)

        @pl.when(j + 2 < _NCHUNK)
        def _():
            @pl.when(j >= 1)
            def _():
                wait_scatter(b2)
            fire_di(j + 2, b2)
            wait_si(b2)
            fire_gather(b2)

    def body(i, carry):
        j = 3 * i
        stage(j, 0)
        stage(j + 1, 1)
        stage(j + 2, 2)
        return carry

    lax.fori_loop(0, _NCHUNK // 3, body, 0)
    stage(_NCHUNK - 2, (_NCHUNK - 2) % 3)
    stage(_NCHUNK - 1, (_NCHUNK - 1) % 3)
    wait_scatter((_NCHUNK - 3) % 3)
    wait_scatter((_NCHUNK - 2) % 3)
    wait_scatter((_NCHUNK - 1) % 3)
    plsc.subcore_barrier()
    pltpu.sync_copy(
        agg_sh.at[pl.ds(s * _ZROWS, _ZROWS)],
        agg_out.at[c, pl.ds(s * _ZROWS, _ZROWS)],
    )


def _make_agg_kernel(interpret=False):
    return functools.partial(
        pl.kernel,
        out_type=jax.ShapeDtypeStruct((2, _NPAD, _D), jnp.float32),
        mesh=_mesh,
        scratch_types=(
            [pltpu.VMEM((_CH,), jnp.int32) for _ in range(6)]
            + [pltpu.VMEM((_CH, _D), jnp.float32) for _ in range(3)]
            + [pltpu.VMEM_SHARED((_NPAD, _D), jnp.float32)]
            + [pltpu.SemaphoreType.DMA for _ in range(12)]
        ),
        interpret=interpret,
    )(_agg_body)


_agg_kernel = _make_agg_kernel()


def _scale_body(x_ref, deg_ref, y_ref):
    x3 = x_ref[...].reshape(_BB, 128, _D)
    dsum = jnp.sum(deg_ref[...], axis=2)
    cs = lax.rsqrt(jnp.maximum(dsum[:, 0], 1.0))
    y_ref[0] = (x3 * cs[0][:, :, None]).reshape(_BLK, _D)
    y_ref[1] = (x3 * cs[1][:, :, None]).reshape(_BLK, _D)


def _scale(x, deg_t):
    return pl.pallas_call(
        _scale_body,
        grid=(_GRID,),
        in_specs=[
            pl.BlockSpec((_BLK, _D), lambda i: (i, 0)),
            pl.BlockSpec((2, 2, _NS, _BB, 128), lambda i: (0, 0, 0, i, 0)),
        ],
        out_specs=pl.BlockSpec((2, _BLK, _D), lambda i: (0, i, 0)),
        out_shape=jax.ShapeDtypeStruct((2, _N, _D), jnp.float32),
    )(x, deg_t)


def _combine_body(agg_ref, deg_ref, w0_ref, w1_ref, b0_ref, b1_ref, o_ref):
    dsum = jnp.sum(deg_ref[...], axis=2)
    ci = lax.rsqrt(jnp.maximum(dsum[:, 1], 1.0))
    a = agg_ref[...]
    z0 = (a[0].reshape(_BB, 128, _D) * ci[0][:, :, None]).reshape(_BLK, _D)
    z1 = (a[1].reshape(_BB, 128, _D) * ci[1][:, :, None]).reshape(_BLK, _D)
    o_ref[...] = 0.5 * (
        jnp.dot(z0, w0_ref[...], preferred_element_type=jnp.float32)
        + jnp.dot(z1, w1_ref[...], preferred_element_type=jnp.float32)
        + (b0_ref[...] + b1_ref[...])
    )


def _combine(agg, deg_t, W0, W1, b0, b1):
    return pl.pallas_call(
        _combine_body,
        grid=(_GRID,),
        in_specs=[
            pl.BlockSpec((2, _BLK, _D), lambda i: (0, i, 0)),
            pl.BlockSpec((2, 2, _NS, _BB, 128), lambda i: (0, 0, 0, i, 0)),
            pl.BlockSpec((_D, _D), lambda i: (0, 0)),
            pl.BlockSpec((_D, _D), lambda i: (0, 0)),
            pl.BlockSpec((1, _D), lambda i: (0, 0)),
            pl.BlockSpec((1, _D), lambda i: (0, 0)),
        ],
        out_specs=pl.BlockSpec((_BLK, _D), lambda i: (i, 0)),
        out_shape=jax.ShapeDtypeStruct((_N, _D), jnp.float32),
    )(agg, deg_t, W0, W1, b0, b1)


def kernel(x, edge_index_rel0, edge_index_rel1, W0, b0, W1, b1):
    shp = (2, _NS, _NCHUNK, _CH)
    srcs4 = jnp.stack([edge_index_rel0[0], edge_index_rel1[0]]).reshape(shp)
    dsts4 = jnp.stack([edge_index_rel0[1], edge_index_rel1[1]]).reshape(shp)
    src_g = jnp.concatenate([edge_index_rel0[0], edge_index_rel1[0] + _N])
    zeros_n = jnp.zeros((_NPAD,), jnp.float32)
    zbig = jnp.zeros((128, _D), jnp.float32)

    deg_t = _deg_kernel(srcs4, dsts4, zeros_n).reshape(2, 2, _NS, _NBLK, 128)
    y = _scale(x, deg_t)
    dsts_flat = jnp.concatenate([edge_index_rel0[1], edge_index_rel1[1]])
    agg = _agg_kernel(y.reshape(2 * _N, _D), src_g, dsts_flat, zbig)
    return _combine(agg, deg_t, W0, W1, b0[None, :], b1[None, :])

# --- scband reference (transcript-rebuilt; emitter-appended) ---
"""Pipeline reference for scband-het-graph-layer-31387620999790 (READ-ONLY COPY).

The authoritative reference and input builder live on the scoring server;
editing this copy changes nothing except your own understanding.
"""

import jax, jax.numpy as jnp
import numpy as np

N = 10000
E = 160000
D = 128

def setup_inputs(seed: int = 0) -> dict:
    key = jax.random.key(seed)
    ks = jax.random.split(key, 8)
    x = jax.random.normal(ks[0], (N, D), dtype=jnp.float32)
    edge_index_rel0 = jax.random.randint(ks[1], (2, E), 0, N, dtype=jnp.int32)
    edge_index_rel1 = jax.random.randint(ks[2], (2, E), 0, N, dtype=jnp.int32)
    # GraphConv weights per relation (num_hiddens -> num_hiddens)
    W0 = jax.random.normal(ks[3], (D, D), dtype=jnp.float32) * (1.0 / np.sqrt(D))
    b0 = jnp.zeros((D,), dtype=jnp.float32)
    W1 = jax.random.normal(ks[4], (D, D), dtype=jnp.float32) * (1.0 / np.sqrt(D))
    b1 = jnp.zeros((D,), dtype=jnp.float32)
    return {"x": x, "edge_index_rel0": edge_index_rel0, "edge_index_rel1": edge_index_rel1,
            "W0": W0, "b0": b0, "W1": W1, "b1": b1}

def _graph_conv(x, edge_index, W, b):
    # DGL GraphConv with norm='both': h = D_in^{-1/2} A^T (D_out^{-1/2} x) W + b
    src = edge_index[0]
    dst = edge_index[1]
    ones = jnp.ones(edge_index.shape[1], dtype=x.dtype)
    deg_out = jax.ops.segment_sum(ones, src, num_segments=N)
    deg_in = jax.ops.segment_sum(ones, dst, num_segments=N)
    c_src = jnp.power(jnp.maximum(deg_out, 1.0), -0.5)
    c_dst = jnp.power(jnp.maximum(deg_in, 1.0), -0.5)
    h = x * c_src[:, None]
    msg = jnp.take(h, src, axis=0)          # gather per-edge source features
    agg = jax.ops.segment_sum(msg, dst, num_segments=N)  # scatter-add to dst
    h = agg * c_dst[:, None]
    return h @ W + b

def reference(x, edge_index_rel0, edge_index_rel1, W0, b0, W1, b1):
    # obtain_het_embs: run each relation's GraphConv
    r0 = _graph_conv(x, edge_index_rel0, W0, b0)
    r1 = _graph_conv(x, edge_index_rel1, W1, b1)
    rel_embs = jnp.stack([r0, r1], axis=0)
    # het_combine (ChannelCombine, 'mean' mode): mean over relation channels
    res = jnp.mean(rel_embs, axis=0)
    return res

if __name__ == "__main__":
    import jax
    _d = setup_inputs()
    print(jax.jit(kernel)(*tuple(_d.values())))

</pallas_src>

<mosaic_0001>
#map = affine_map<(d0, d1) -> (0, 0)>
#map1 = affine_map<(d0, d1) -> (0)>
#map2 = affine_map<(d0, d1) -> (0, 0, 0)>
module attributes {stable_mosaic.version = 14 : i64} {
  func.func @_agg_body(%arg0: i32, %arg1: i32, %arg2: memref<20000x128xf32, #tpu.memory_space<hbm>>, %arg3: memref<320000xi32, #tpu.memory_space<hbm>>, %arg4: memref<320000xi32, #tpu.memory_space<hbm>>, %arg5: memref<128x128xf32, #tpu.memory_space<hbm>>, %arg6: memref<2x10240x128xf32, #tpu.memory_space<hbm>>, %arg7: memref<80xi32, #tpu.memory_space<vmem>>, %arg8: memref<80xi32, #tpu.memory_space<vmem>>, %arg9: memref<80xi32, #tpu.memory_space<vmem>>, %arg10: memref<80xi32, #tpu.memory_space<vmem>>, %arg11: memref<80xi32, #tpu.memory_space<vmem>>, %arg12: memref<80xi32, #tpu.memory_space<vmem>>, %arg13: memref<80x128xf32, #tpu.memory_space<vmem>>, %arg14: memref<80x128xf32, #tpu.memory_space<vmem>>, %arg15: memref<80x128xf32, #tpu.memory_space<vmem>>, %arg16: memref<10240x128xf32, #tpu.memory_space<vmem_shared>>, %arg17: memref<!tpu.dma_semaphore, #tpu.memory_space<semaphore_mem>>, %arg18: memref<!tpu.dma_semaphore, #tpu.memory_space<semaphore_mem>>, %arg19: memref<!tpu.dma_semaphore, #tpu.memory_space<semaphore_mem>>, %arg20: memref<!tpu.dma_semaphore, #tpu.memory_space<semaphore_mem>>, %arg21: memref<!tpu.dma_semaphore, #tpu.memory_space<semaphore_mem>>, %arg22: memref<!tpu.dma_semaphore, #tpu.memory_space<semaphore_mem>>, %arg23: memref<!tpu.dma_semaphore, #tpu.memory_space<semaphore_mem>>, %arg24: memref<!tpu.dma_semaphore, #tpu.memory_space<semaphore_mem>>, %arg25: memref<!tpu.dma_semaphore, #tpu.memory_space<semaphore_mem>>, %arg26: memref<!tpu.dma_semaphore, #tpu.memory_space<semaphore_mem>>, %arg27: memref<!tpu.dma_semaphore, #tpu.memory_space<semaphore_mem>>, %arg28: memref<!tpu.dma_semaphore, #tpu.memory_space<semaphore_mem>>) attributes {dimension_semantics = [#tpu.dimension_semantics<core_parallel>, #tpu.dimension_semantics<subcore_parallel>], iteration_bounds = array<i64: 2, 16>, scalar_prefetch = 0 : i64, scratch_operands = 22 : i64, tpu.core_type = #tpu.core_type<sc_vector_subcore>, window_params = [{transform_indices = #map}, {transform_indices = #map1}, {transform_indices = #map1}, {transform_indices = #map}, {transform_indices = #map2}]} {
    %mul3A = arith.constant 640 : i32
    %mul3A_0 = arith.muli %arg1, %mul3A : i32
    %add3A = arith.constant 0 : i32
    %add3A_1 = arith.addi %mul3A_0, %add3A : i32
    "tpu.region"() ({
      %run_scoped3A = tpu.sem_alloc : memref<!tpu.dma_semaphore, #tpu.memory_space<semaphore_mem>>
      %dma_start3A_86 = arith.constant 0 : i32
      %dma_start3A_87 = tpu.memref_slice %arg16[%add3A_1, %dma_start3A_86] : memref<10240x128xf32, #tpu.memory_space<vmem_shared>> -> memref<128x128xf32, #tpu.memory_space<vmem_shared>>
      tpu.enqueue_dma source(%arg5 : memref<128x128xf32, #tpu.memory_space<hbm>>) target(%dma_start3A_87 : memref<128x128xf32, #tpu.memory_space<vmem_shared>>) target_semaphore(%run_scoped3A : memref<!tpu.dma_semaphore, #tpu.memory_space<semaphore_mem>>)
      %dma_wait3A_88 = arith.constant 0 : i32
      %dma_wait3A_89 = tpu.memref_slice %arg16[%add3A_1, %dma_wait3A_88] : memref<10240x128xf32, #tpu.memory_space<vmem_shared>> -> memref<128x128xf32, #tpu.memory_space<vmem_shared>>
      tpu.wait_dma2 semaphore(%run_scoped3A : memref<!tpu.dma_semaphore, #tpu.memory_space<semaphore_mem>>) src(%arg5 : memref<128x128xf32, #tpu.memory_space<hbm>>) dst(%dma_wait3A_89 : memref<128x128xf32, #tpu.memory_space<vmem_shared>>)
      tpu.yield
    }) : () -> ()
    %mul3A_2 = arith.constant 640 : i32
    %mul3A_3 = arith.muli %arg1, %mul3A_2 : i32
    %add3A_4 = arith.constant 128 : i32
    %add3A_5 = arith.addi %mul3A_3, %add3A_4 : i32
    "tpu.region"() ({
      %run_scoped3A = tpu.sem_alloc : memref<!tpu.dma_semaphore, #tpu.memory_space<semaphore_mem>>
      %dma_start3A_86 = arith.constant 0 : i32
      %dma_start3A_87 = tpu.memref_slice %arg16[%add3A_5, %dma_start3A_86] : memref<10240x128xf32, #tpu.memory_space<vmem_shared>> -> memref<128x128xf32, #tpu.memory_space<vmem_shared>>
      tpu.enqueue_dma source(%arg5 : memref<128x128xf32, #tpu.memory_space<hbm>>) target(%dma_start3A_87 : memref<128x128xf32, #tpu.memory_space<vmem_shared>>) target_semaphore(%run_scoped3A : memref<!tpu.dma_semaphore, #tpu.memory_space<semaphore_mem>>)
      %dma_wait3A_88 = arith.constant 0 : i32
      %dma_wait3A_89 = tpu.memref_slice %arg16[%add3A_5, %dma_wait3A_88] : memref<10240x128xf32, #tpu.memory_space<vmem_shared>> -> memref<128x128xf32, #tpu.memory_space<vmem_shared>>
      tpu.wait_dma2 semaphore(%run_scoped3A : memref<!tpu.dma_semaphore, #tpu.memory_space<semaphore_mem>>) src(%arg5 : memref<128x128xf32, #tpu.memory_space<hbm>>) dst(%dma_wait3A_89 : memref<128x128xf32, #tpu.memory_space<vmem_shared>>)
      tpu.yield
    }) : () -> ()
    %mul3A_6 = arith.constant 640 : i32
    %mul3A_7 = arith.muli %arg1, %mul3A_6 : i32
    %add3A_8 = arith.constant 256 : i32
    %add3A_9 = arith.addi %mul3A_7, %add3A_8 : i32
    "tpu.region"() ({
      %run_scoped3A = tpu.sem_alloc : memref<!tpu.dma_semaphore, #tpu.memory_space<semaphore_mem>>
      %dma_start3A_86 = arith.constant 0 : i32
      %dma_start3A_87 = tpu.memref_slice %arg16[%add3A_9, %dma_start3A_86] : memref<10240x128xf32, #tpu.memory_space<vmem_shared>> -> memref<128x128xf32, #tpu.memory_space<vmem_shared>>
      tpu.enqueue_dma source(%arg5 : memref<128x128xf32, #tpu.memory_space<hbm>>) target(%dma_start3A_87 : memref<128x128xf32, #tpu.memory_space<vmem_shared>>) target_semaphore(%run_scoped3A : memref<!tpu.dma_semaphore, #tpu.memory_space<semaphore_mem>>)
      %dma_wait3A_88 = arith.constant 0 : i32
      %dma_wait3A_89 = tpu.memref_slice %arg16[%add3A_9, %dma_wait3A_88] : memref<10240x128xf32, #tpu.memory_space<vmem_shared>> -> memref<128x128xf32, #tpu.memory_space<vmem_shared>>
      tpu.wait_dma2 semaphore(%run_scoped3A : memref<!tpu.dma_semaphore, #tpu.memory_space<semaphore_mem>>) src(%arg5 : memref<128x128xf32, #tpu.memory_space<hbm>>) dst(%dma_wait3A_89 : memref<128x128xf32, #tpu.memory_space<vmem_shared>>)
      tpu.yield
    }) : () -> ()
    %mul3A_10 = arith.constant 640 : i32
    %mul3A_11 = arith.muli %arg1, %mul3A_10 : i32
    %add3A_12 = arith.constant 384 : i32
    %add3A_13 = arith.addi %mul3A_11, %add3A_12 : i32
    "tpu.region"() ({
      %run_scoped3A = tpu.sem_alloc : memref<!tpu.dma_semaphore, #tpu.memory_space<semaphore_mem>>
      %dma_start3A_86 = arith.constant 0 : i32
      %dma_start3A_87 = tpu.memref_slice %arg16[%add3A_13, %dma_start3A_86] : memref<10240x128xf32, #tpu.memory_space<vmem_shared>> -> memref<128x128xf32, #tpu.memory_space<vmem_shared>>
      tpu.enqueue_dma source(%arg5 : memref<128x128xf32, #tpu.memory_space<hbm>>) target(%dma_start3A_87 : memref<128x128xf32, #tpu.memory_space<vmem_shared>>) target_semaphore(%run_scoped3A : memref<!tpu.dma_semaphore, #tpu.memory_space<semaphore_mem>>)
      %dma_wait3A_88 = arith.constant 0 : i32
      %dma_wait3A_89 = tpu.memref_slice %arg16[%add3A_13, %dma_wait3A_88] : memref<10240x128xf32, #tpu.memory_space<vmem_shared>> -> memref<128x128xf32, #tpu.memory_space<vmem_shared>>
      tpu.wait_dma2 semaphore(%run_scoped3A : memref<!tpu.dma_semaphore, #tpu.memory_space<semaphore_mem>>) src(%arg5 : memref<128x128xf32, #tpu.memory_space<hbm>>) dst(%dma_wait3A_89 : memref<128x128xf32, #tpu.memory_space<vmem_shared>>)
      tpu.yield
    }) : () -> ()
    %mul3A_14 = arith.constant 640 : i32
    %mul3A_15 = arith.muli %arg1, %mul3A_14 : i32
    %add3A_16 = arith.constant 512 : i32
    %add3A_17 = arith.addi %mul3A_15, %add3A_16 : i32
    "tpu.region"() ({
      %run_scoped3A = tpu.sem_alloc : memref<!tpu.dma_semaphore, #tpu.memory_space<semaphore_mem>>
      %dma_start3A_86 = arith.constant 0 : i32
      %dma_start3A_87 = tpu.memref_slice %arg16[%add3A_17, %dma_start3A_86] : memref<10240x128xf32, #tpu.memory_space<vmem_shared>> -> memref<128x128xf32, #tpu.memory_space<vmem_shared>>
      tpu.enqueue_dma source(%arg5 : memref<128x128xf32, #tpu.memory_space<hbm>>) target(%dma_start3A_87 : memref<128x128xf32, #tpu.memory_space<vmem_shared>>) target_semaphore(%run_scoped3A : memref<!tpu.dma_semaphore, #tpu.memory_space<semaphore_mem>>)
      %dma_wait3A_88 = arith.constant 0 : i32
      %dma_wait3A_89 = tpu.memref_slice %arg16[%add3A_17, %dma_wait3A_88] : memref<10240x128xf32, #tpu.memory_space<vmem_shared>> -> memref<128x128xf32, #tpu.memory_space<vmem_shared>>
      tpu.wait_dma2 semaphore(%run_scoped3A : memref<!tpu.dma_semaphore, #tpu.memory_space<semaphore_mem>>) src(%arg5 : memref<128x128xf32, #tpu.memory_space<hbm>>) dst(%dma_wait3A_89 : memref<128x128xf32, #tpu.memory_space<vmem_shared>>)
      tpu.yield
    }) : () -> ()
    %barrier3A = arith.constant 0 : index
    tpu.barrier barrier_id(%barrier3A)
    %mul3A_18 = arith.constant 160000 : i32
    %mul3A_19 = arith.muli %arg0, %mul3A_18 : i32
    %mul3A_20 = arith.constant 10000 : i32
    %mul3A_21 = arith.muli %arg1, %mul3A_20 : i32
    %add3A_22 = arith.addi %mul3A_19, %mul3A_21 : i32
    %add3A_23 = arith.constant 0 : i32
    %add3A_24 = arith.addi %add3A_22, %add3A_23 : i32
    %dma_start3A = tpu.memref_slice %arg3[%add3A_24] : memref<320000xi32, #tpu.memory_space<hbm>> -> memref<80xi32, #tpu.memory_space<hbm>>
    %dma_start3A_25 = tpu.memref_slice %arg3[%add3A_24] : memref<320000xi32, #tpu.memory_space<hbm>> -> memref<80xi32, #tpu.memory_space<hbm>>
    tpu.enqueue_dma source(%dma_start3A_25 : memref<80xi32, #tpu.memory_space<hbm>>) target(%arg7 : memref<80xi32, #tpu.memory_space<vmem>>) target_semaphore(%arg23 : memref<!tpu.dma_semaphore, #tpu.memory_space<semaphore_mem>>)
    %add3A_26 = arith.constant 80 : i32
    %add3A_27 = arith.addi %add3A_22, %add3A_26 : i32
    %dma_start3A_28 = tpu.memref_slice %arg3[%add3A_27] : memref<320000xi32, #tpu.memory_space<hbm>> -> memref<80xi32, #tpu.memory_space<hbm>>
    %dma_start3A_29 = tpu.memref_slice %arg3[%add3A_27] : memref<320000xi32, #tpu.memory_space<hbm>> -> memref<80xi32, #tpu.memory_space<hbm>>
    tpu.enqueue_dma source(%dma_start3A_29 : memref<80xi32, #tpu.memory_space<hbm>>) target(%arg8 : memref<80xi32, #tpu.memory_space<vmem>>) target_semaphore(%arg24 : memref<!tpu.dma_semaphore, #tpu.memory_space<semaphore_mem>>)
    %add3A_30 = arith.constant 160 : i32
    %add3A_31 = arith.addi %add3A_22, %add3A_30 : i32
    %dma_start3A_32 = tpu.memref_slice %arg3[%add3A_31] : memref<320000xi32, #tpu.memory_space<hbm>> -> memref<80xi32, #tpu.memory_space<hbm>>
    %dma_start3A_33 = tpu.memref_slice %arg3[%add3A_31] : memref<320000xi32, #tpu.memory_space<hbm>> -> memref<80xi32, #tpu.memory_space<hbm>>
    tpu.enqueue_dma source(%dma_start3A_33 : memref<80xi32, #tpu.memory_space<hbm>>) target(%arg9 : memref<80xi32, #tpu.memory_space<vmem>>) target_semaphore(%arg25 : memref<!tpu.dma_semaphore, #tpu.memory_space<semaphore_mem>>)
    %add3A_34 = arith.constant 0 : i32
    %add3A_35 = arith.addi %add3A_22, %add3A_34 : i32
    %dma_start3A_36 = tpu.memref_slice %arg4[%add3A_35] : memref<320000xi32, #tpu.memory_space<hbm>> -> memref<80xi32, #tpu.memory_space<hbm>>
    %dma_start3A_37 = tpu.memref_slice %arg4[%add3A_35] : memref<320000xi32, #tpu.memory_space<hbm>> -> memref<80xi32, #tpu.memory_space<hbm>>
    tpu.enqueue_dma source(%dma_start3A_37 : memref<80xi32, #tpu.memory_space<hbm>>) target(%arg10 : memref<80xi32, #tpu.memory_space<vmem>>) target_semaphore(%arg26 : memref<!tpu.dma_semaphore, #tpu.memory_space<semaphore_mem>>)
    %add3A_38 = arith.constant 80 : i32
    %add3A_39 = arith.addi %add3A_22, %add3A_38 : i32
    %dma_start3A_40 = tpu.memref_slice %arg4[%add3A_39] : memref<320000xi32, #tpu.memory_space<hbm>> -> memref<80xi32, #tpu.memory_space<hbm>>
    %dma_start3A_41 = tpu.memref_slice %arg4[%add3A_39] : memref<320000xi32, #tpu.memory_space<hbm>> -> memref<80xi32, #tpu.memory_space<hbm>>
    tpu.enqueue_dma source(%dma_start3A_41 : memref<80xi32, #tpu.memory_space<hbm>>) target(%arg11 : memref<80xi32, #tpu.memory_space<vmem>>) target_semaphore(%arg27 : memref<!tpu.dma_semaphore, #tpu.memory_space<semaphore_mem>>)
    %dma_wait3A = tpu.memref_slice %arg3[%add3A_22] : memref<320000xi32, #tpu.memory_space<hbm>> -> memref<80xi32, #tpu.memory_space<hbm>>
    %dma_wait3A_42 = tpu.memref_slice %arg3[%add3A_22] : memref<320000xi32, #tpu.memory_space<hbm>> -> memref<80xi32, #tpu.memory_space<hbm>>
    tpu.wait_dma2 semaphore(%arg23 : memref<!tpu.dma_semaphore, #tpu.memory_space<semaphore_mem>>) src(%dma_wait3A_42 : memref<80xi32, #tpu.memory_space<hbm>>) dst(%arg7 : memref<80xi32, #tpu.memory_space<vmem>>)
    %dma_start3A_43 = arith.constant 0 : i32
    %dma_start3A_44 = arith.constant 0 : i32
    %dma_start3A_45 = tpu.memref_slice %arg2[%dma_start3A_43, %dma_start3A_44] : memref<20000x128xf32, #tpu.memory_space<hbm>> -> memref<20000x128xf32, #tpu.memory_space<hbm>>
    tpu.enqueue_indirect_dma source(%dma_start3A_45 : memref<20000x128xf32, #tpu.memory_space<hbm>>) target(%arg13 : memref<80x128xf32, #tpu.memory_space<vmem>>) offsets(%arg7 : memref<80xi32, #tpu.memory_space<vmem>>) semaphore(%arg17 : memref<!tpu.dma_semaphore, #tpu.memory_space<semaphore_mem>>)
    %dma_wait3A_46 = tpu.memref_slice %arg3[%add3A_22] : memref<320000xi32, #tpu.memory_space<hbm>> -> memref<80xi32, #tpu.memory_space<hbm>>
    %dma_wait3A_47 = tpu.memref_slice %arg3[%add3A_22] : memref<320000xi32, #tpu.memory_space<hbm>> -> memref<80xi32, #tpu.memory_space<hbm>>
    tpu.wait_dma2 semaphore(%arg24 : memref<!tpu.dma_semaphore, #tpu.memory_space<semaphore_mem>>) src(%dma_wait3A_47 : memref<80xi32, #tpu.memory_space<hbm>>) dst(%arg8 : memref<80xi32, #tpu.memory_space<vmem>>)
    %dma_start3A_48 = arith.constant 0 : i32
    %dma_start3A_49 = arith.constant 0 : i32
    %dma_start3A_50 = tpu.memref_slice %arg2[%dma_start3A_48, %dma_start3A_49] : memref<20000x128xf32, #tpu.memory_space<hbm>> -> memref<20000x128xf32, #tpu.memory_space<hbm>>
    tpu.enqueue_indirect_dma source(%dma_start3A_50 : memref<20000x128xf32, #tpu.memory_space<hbm>>) target(%arg14 : memref<80x128xf32, #tpu.memory_space<vmem>>) offsets(%arg8 : memref<80xi32, #tpu.memory_space<vmem>>) semaphore(%arg18 : memref<!tpu.dma_semaphore, #tpu.memory_space<semaphore_mem>>)
    %scan3A = arith.constant 0 : i32
    %scan3A_51 = arith.constant 0 : i32
    %scan3A_52 = arith.constant 41 : i32
    %scan3A_53 = arith.addi %scan3A_51, %scan3A_52 : i32
    %scan3A_54 = arith.constant 1 : i32
    scf.for %scan3A_86 = %scan3A_51 to %scan3A_53 step %scan3A_54  : i32 {
      %mul3A_87 = arith.constant 3 : i32
      %mul3A_88 = arith.muli %mul3A_87, %scan3A_86 : i32
      %dma_wait3A_89 = arith.constant 0 : i32
      %dma_wait3A_90 = arith.constant 0 : i32
      %dma_wait3A_91 = tpu.memref_slice %arg2[%dma_wait3A_89, %dma_wait3A_90] : memref<20000x128xf32, #tpu.memory_space<hbm>> -> memref<20000x128xf32, #tpu.memory_space<hbm>>
      tpu.wait_indirect_dma semaphore(%arg17 : memref<!tpu.dma_semaphore, #tpu.memory_space<semaphore_mem>>) src(%dma_wait3A_91 : memref<20000x128xf32, #tpu.memory_space<hbm>>) dst(%arg13 : memref<80x128xf32, #tpu.memory_space<vmem>>)
      %add3A_92 = arith.constant 3 : i32
      %add3A_93 = arith.addi %mul3A_88, %add3A_92 : i32
      %lt3A = arith.constant 125 : i32
      %lt3A_94 = arith.cmpi slt, %add3A_93, %lt3A : i32
      %convert_element_type3A = arith.extui %lt3A_94 : i1 to i32
      %cond3A = arith.constant 0 : i32
      %cond3A_95 = arith.cmpi ne, %convert_element_type3A, %cond3A : i32
      scf.if %cond3A_95 {
        %add3A_156 = arith.constant 3 : i32
        %add3A_157 = arith.addi %mul3A_88, %add3A_156 : i32
        %mul3A_158 = arith.constant 80 : i32
        %mul3A_159 = arith.muli %add3A_157, %mul3A_158 : i32
        %add3A_160 = arith.addi %add3A_22, %mul3A_159 : i32
        %dma_start3A_161 = tpu.memref_slice %arg3[%add3A_160] : memref<320000xi32, #tpu.memory_space<hbm>> -> memref<80xi32, #tpu.memory_space<hbm>>
        %dma_start3A_162 = tpu.memref_slice %arg3[%add3A_160] : memref<320000xi32, #tpu.memory_space<hbm>> -> memref<80xi32, #tpu.memory_space<hbm>>
        tpu.enqueue_dma source(%dma_start3A_162 : memref<80xi32, #tpu.memory_space<hbm>>) target(%arg7 : memref<80xi32, #tpu.memory_space<vmem>>) target_semaphore(%arg23 : memref<!tpu.dma_semaphore, #tpu.memory_space<semaphore_mem>>)
      } else {
      }
      %dma_wait3A_96 = tpu.memref_slice %arg4[%add3A_22] : memref<320000xi32, #tpu.memory_space<hbm>> -> memref<80xi32, #tpu.memory_space<hbm>>
      %dma_wait3A_97 = tpu.memref_slice %arg4[%add3A_22] : memref<320000xi32, #tpu.memory_space<hbm>> -> memref<80xi32, #tpu.memory_space<hbm>>
      tpu.wait_dma2 semaphore(%arg26 : memref<!tpu.dma_semaphore, #tpu.memory_space<semaphore_mem>>) src(%dma_wait3A_97 : memref<80xi32, #tpu.memory_space<hbm>>) dst(%arg10 : memref<80xi32, #tpu.memory_space<vmem>>)
      %dma_start3A_98 = arith.constant 0 : i32
      %dma_start3A_99 = arith.constant 0 : i32
      %dma_start3A_100 = tpu.memref_slice %arg16[%dma_start3A_98, %dma_start3A_99] : memref<10240x128xf32, #tpu.memory_space<vmem_shared>> -> memref<10240x128xf32, #tpu.memory_space<vmem_shared>>
      tpu.enqueue_indirect_dma source(%arg13 : memref<80x128xf32, #tpu.memory_space<vmem>>) target(%dma_start3A_100 : memref<10240x128xf32, #tpu.memory_space<vmem_shared>>) offsets(%arg10 : memref<80xi32, #tpu.memory_space<vmem>>) semaphore(%arg20 : memref<!tpu.dma_semaphore, #tpu.memory_space<semaphore_mem>>) {add = true}
      %add3A_101 = arith.constant 2 : i32
      %add3A_102 = arith.addi %mul3A_88, %add3A_101 : i32
      %lt3A_103 = arith.constant 125 : i32
      %lt3A_104 = arith.cmpi slt, %add3A_102, %lt3A_103 : i32
      %convert_element_type3A_105 = arith.extui %lt3A_104 : i1 to i32
      %cond3A_106 = arith.constant 0 : i32
      %cond3A_107 = arith.cmpi ne, %convert_element_type3A_105, %cond3A_106 : i32
      scf.if %cond3A_107 {
        %ge3A = arith.constant 1 : i32
        %ge3A_156 = arith.cmpi sge, %mul3A_88, %ge3A : i32
        %convert_element_type3A_157 = arith.extui %ge3A_156 : i1 to i32
        %cond3A_158 = arith.constant 0 : i32
        %cond3A_159 = arith.cmpi ne, %convert_element_type3A_157, %cond3A_158 : i32
        scf.if %cond3A_159 {
          %dma_wait3A_172 = arith.constant 0 : i32
          %dma_wait3A_173 = arith.constant 0 : i32
          %dma_wait3A_174 = tpu.memref_slice %arg16[%dma_wait3A_172, %dma_wait3A_173] : memref<10240x128xf32, #tpu.memory_space<vmem_shared>> -> memref<10240x128xf32, #tpu.memory_space<vmem_shared>>
          tpu.wait_indirect_dma semaphore(%arg22 : memref<!tpu.dma_semaphore, #tpu.memory_space<semaphore_mem>>) src(%arg15 : memref<80x128xf32, #tpu.memory_space<vmem>>) dst(%dma_wait3A_174 : memref<10240x128xf32, #tpu.memory_space<vmem_shared>>)
        } else {
        }
        %add3A_160 = arith.constant 2 : i32
        %add3A_161 = arith.addi %mul3A_88, %add3A_160 : i32
        %mul3A_162 = arith.constant 80 : i32
        %mul3A_163 = arith.muli %add3A_161, %mul3A_162 : i32
        %add3A_164 = arith.addi %add3A_22, %mul3A_163 : i32
        %dma_start3A_165 = tpu.memref_slice %arg4[%add3A_164] : memref<320000xi32, #tpu.memory_space<hbm>> -> memref<80xi32, #tpu.memory_space<hbm>>
        %dma_start3A_166 = tpu.memref_slice %arg4[%add3A_164] : memref<320000xi32, #tpu.memory_space<hbm>> -> memref<80xi32, #tpu.memory_space<hbm>>
        tpu.enqueue_dma source(%dma_start3A_166 : memref<80xi32, #tpu.memory_space<hbm>>) target(%arg12 : memref<80xi32, #tpu.memory_space<vmem>>) target_semaphore(%arg28 : memref<!tpu.dma_semaphore, #tpu.memory_space<semaphore_mem>>)
        %dma_wait3A_167 = tpu.memref_slice %arg3[%add3A_22] : memref<320000xi32, #tpu.memory_space<hbm>> -> memref<80xi32, #tpu.memory_space<hbm>>
        %dma_wait3A_168 = tpu.memref_slice %arg3[%add3A_22] : memref<320000xi32, #tpu.memory_space<hbm>> -> memref<80xi32, #tpu.memory_space<hbm>>
        tpu.wait_dma2 semaphore(%arg25 : memref<!tpu.dma_semaphore, #tpu.memory_space<semaphore_mem>>) src(%dma_wait3A_168 : memref<80xi32, #tpu.memory_space<hbm>>) dst(%arg9 : memref<80xi32, #tpu.memory_space<vmem>>)
        %dma_start3A_169 = arith.constant 0 : i32
        %dma_start3A_170 = arith.constant 0 : i32
        %dma_start3A_171 = tpu.memref_slice %arg2[%dma_start3A_169, %dma_start3A_170] : memref<20000x128xf32, #tpu.memory_space<hbm>> -> memref<20000x128xf32, #tpu.memory_space<hbm>>
        tpu.enqueue_indirect_dma source(%dma_start3A_171 : memref<20000x128xf32, #tpu.memory_space<hbm>>) target(%arg15 : memref<80x128xf32, #tpu.memory_space<vmem>>) offsets(%arg9 : memref<80xi32, #tpu.memory_space<vmem>>) semaphore(%arg19 : memref<!tpu.dma_semaphore, #tpu.memory_space<semaphore_mem>>)
      } else {
      }
      %add3A_108 = arith.constant 1 : i32
      %add3A_109 = arith.addi %mul3A_88, %add3A_108 : i32
      %dma_wait3A_110 = arith.constant 0 : i32
      %dma_wait3A_111 = arith.constant 0 : i32
      %dma_wait3A_112 = tpu.memref_slice %arg2[%dma_wait3A_110, %dma_wait3A_111] : memref<20000x128xf32, #tpu.memory_space<hbm>> -> memref<20000x128xf32, #tpu.memory_space<hbm>>
      tpu.wait_indirect_dma semaphore(%arg18 : memref<!tpu.dma_semaphore, #tpu.memory_space<semaphore_mem>>) src(%dma_wait3A_112 : memref<20000x128xf32, #tpu.memory_space<hbm>>) dst(%arg14 : memref<80x128xf32, #tpu.memory_space<vmem>>)
      %add3A_113 = arith.constant 3 : i32
      %add3A_114 = arith.addi %add3A_109, %add3A_113 : i32
      %lt3A_115 = arith.constant 125 : i32
      %lt3A_116 = arith.cmpi slt, %add3A_114, %lt3A_115 : i32
      %convert_element_type3A_117 = arith.extui %lt3A_116 : i1 to i32
      %cond3A_118 = arith.constant 0 : i32
      %cond3A_119 = arith.cmpi ne, %convert_element_type3A_117, %cond3A_118 : i32
      scf.if %cond3A_119 {
        %add3A_156 = arith.constant 3 : i32
        %add3A_157 = arith.addi %add3A_109, %add3A_156 : i32
        %mul3A_158 = arith.constant 80 : i32
        %mul3A_159 = arith.muli %add3A_157, %mul3A_158 : i32
        %add3A_160 = arith.addi %add3A_22, %mul3A_159 : i32
        %dma_start3A_161 = tpu.memref_slice %arg3[%add3A_160] : memref<320000xi32, #tpu.memory_space<hbm>> -> memref<80xi32, #tpu.memory_space<hbm>>
        %dma_start3A_162 = tpu.memref_slice %arg3[%add3A_160] : memref<320000xi32, #tpu.memory_space<hbm>> -> memref<80xi32, #tpu.memory_space<hbm>>
        tpu.enqueue_dma source(%dma_start3A_162 : memref<80xi32, #tpu.memory_space<hbm>>) target(%arg8 : memref<80xi32, #tpu.memory_space<vmem>>) target_semaphore(%arg24 : memref<!tpu.dma_semaphore, #tpu.memory_space<semaphore_mem>>)
      } else {
      }
      %dma_wait3A_120 = tpu.memref_slice %arg4[%add3A_22] : memref<320000xi32, #tpu.memory_space<hbm>> -> memref<80xi32, #tpu.memory_space<hbm>>
      %dma_wait3A_121 = tpu.memref_slice %arg4[%add3A_22] : memref<320000xi32, #tpu.memory_space<hbm>> -> memref<80xi32, #tpu.memory_space<hbm>>
      tpu.wait_dma2 semaphore(%arg27 : memref<!tpu.dma_semaphore, #tpu.memory_space<semaphore_mem>>) src(%dma_wait3A_121 : memref<80xi32, #tpu.memory_space<hbm>>) dst(%arg11 : memref<80xi32, #tpu.memory_space<vmem>>)
      %dma_start3A_122 = arith.constant 0 : i32
      %dma_start3A_123 = arith.constant 0 : i32
      %dma_start3A_124 = tpu.memref_slice %arg16[%dma_start3A_122, %dma_start3A_123] : memref<10240x128xf32, #tpu.memory_space<vmem_shared>> -> memref<10240x128xf32, #tpu.memory_space<vmem_shared>>
      tpu.enqueue_indirect_dma source(%arg14 : memref<80x128xf32, #tpu.memory_space<vmem>>) target(%dma_start3A_124 : memref<10240x128xf32, #tpu.memory_space<vmem_shared>>) offsets(%arg11 : memref<80xi32, #tpu.memory_space<vmem>>) semaphore(%arg21 : memref<!tpu.dma_semaphore, #tpu.memory_space<semaphore_mem>>) {add = true}
      %add3A_125 = arith.constant 2 : i32
      %add3A_126 = arith.addi %add3A_109, %add3A_125 : i32
      %lt3A_127 = arith.constant 125 : i32
      %lt3A_128 = arith.cmpi slt, %add3A_126, %lt3A_127 : i32
      %convert_element_type3A_129 = arith.extui %lt3A_128 : i1 to i32
      %cond3A_130 = arith.constant 0 : i32
      %cond3A_131 = arith.cmpi ne, %convert_element_type3A_129, %cond3A_130 : i32
      scf.if %cond3A_131 {
        %ge3A = arith.constant 1 : i32
        %ge3A_156 = arith.cmpi sge, %add3A_109, %ge3A : i32
        %convert_element_type3A_157 = arith.extui %ge3A_156 : i1 to i32
        %cond3A_158 = arith.constant 0 : i32
        %cond3A_159 = arith.cmpi ne, %convert_element_type3A_157, %cond3A_158 : i32
        scf.if %cond3A_159 {
          %dma_wait3A_172 = arith.constant 0 : i32
          %dma_wait3A_173 = arith.constant 0 : i32
          %dma_wait3A_174 = tpu.memref_slice %arg16[%dma_wait3A_172, %dma_wait3A_173] : memref<10240x128xf32, #tpu.memory_space<vmem_shared>> -> memref<10240x128xf32, #tpu.memory_space<vmem_shared>>
          tpu.wait_indirect_dma semaphore(%arg20 : memref<!tpu.dma_semaphore, #tpu.memory_space<semaphore_mem>>) src(%arg13 : memref<80x128xf32, #tpu.memory_space<vmem>>) dst(%dma_wait3A_174 : memref<10240x128xf32, #tpu.memory_space<vmem_shared>>)
        } else {
        }
        %add3A_160 = arith.constant 2 : i32
        %add3A_161 = arith.addi %add3A_109, %add3A_160 : i32
        %mul3A_162 = arith.constant 80 : i32
        %mul3A_163 = arith.muli %add3A_161, %mul3A_162 : i32
        %add3A_164 = arith.addi %add3A_22, %mul3A_163 : i32
        %dma_start3A_165 = tpu.memref_slice %arg4[%add3A_164] : memref<320000xi32, #tpu.memory_space<hbm>> -> memref<80xi32, #tpu.memory_space<hbm>>
        %dma_start3A_166 = tpu.memref_slice %arg4[%add3A_164] : memref<320000xi32, #tpu.memory_space<hbm>> -> memref<80xi32, #tpu.memory_space<hbm>>
        tpu.enqueue_dma source(%dma_start3A_166 : memref<80xi32, #tpu.memory_space<hbm>>) target(%arg10 : memref<80xi32, #tpu.memory_space<vmem>>) target_semaphore(%arg26 : memref<!tpu.dma_semaphore, #tpu.memory_space<semaphore_mem>>)
        %dma_wait3A_167 = tpu.memref_slice %arg3[%add3A_22] : memref<320000xi32, #tpu.memory_space<hbm>> -> memref<80xi32, #tpu.memory_space<hbm>>
        %dma_wait3A_168 = tpu.memref_slice %arg3[%add3A_22] : memref<320000xi32, #tpu.memory_space<hbm>> -> memref<80xi32, #tpu.memory_space<hbm>>
        tpu.wait_dma2 semaphore(%arg23 : memref<!tpu.dma_semaphore, #tpu.memory_space<semaphore_mem>>) src(%dma_wait3A_168 : memref<80xi32, #tpu.memory_space<hbm>>) dst(%arg7 : memref<80xi32, #tpu.memory_space<vmem>>)
        %dma_start3A_169 = arith.constant 0 : i32
        %dma_start3A_170 = arith.constant 0 : i32
        %dma_start3A_171 = tpu.memref_slice %arg2[%dma_start3A_169, %dma_start3A_170] : memref<20000x128xf32, #tpu.memory_space<hbm>> -> memref<20000x128xf32, #tpu.memory_space<hbm>>
        tpu.enqueue_indirect_dma source(%dma_start3A_171 : memref<20000x128xf32, #tpu.memory_space<hbm>>) target(%arg13 : memref<80x128xf32, #tpu.memory_space<vmem>>) offsets(%arg7 : memref<80xi32, #tpu.memory_space<vmem>>) semaphore(%arg17 : memref<!tpu.dma_semaphore, #tpu.memory_space<semaphore_mem>>)
      } else {
      }
      %add3A_132 = arith.constant 2 : i32
      %add3A_133 = arith.addi %mul3A_88, %add3A_132 : i32
      %dma_wait3A_134 = arith.constant 0 : i32
      %dma_wait3A_135 = arith.constant 0 : i32
      %dma_wait3A_136 = tpu.memref_slice %arg2[%dma_wait3A_134, %dma_wait3A_135] : memref<20000x128xf32, #tpu.memory_space<hbm>> -> memref<20000x128xf32, #tpu.memory_space<hbm>>
      tpu.wait_indirect_dma semaphore(%arg19 : memref<!tpu.dma_semaphore, #tpu.memory_space<semaphore_mem>>) src(%dma_wait3A_136 : memref<20000x128xf32, #tpu.memory_space<hbm>>) dst(%arg15 : memref<80x128xf32, #tpu.memory_space<vmem>>)
      %add3A_137 = arith.constant 3 : i32
      %add3A_138 = arith.addi %add3A_133, %add3A_137 : i32
      %lt3A_139 = arith.constant 125 : i32
      %lt3A_140 = arith.cmpi slt, %add3A_138, %lt3A_139 : i32
      %convert_element_type3A_141 = arith.extui %lt3A_140 : i1 to i32
      %cond3A_142 = arith.constant 0 : i32
      %cond3A_143 = arith.cmpi ne, %convert_element_type3A_141, %cond3A_142 : i32
      scf.if %cond3A_143 {
        %add3A_156 = arith.constant 3 : i32
        %add3A_157 = arith.addi %add3A_133, %add3A_156 : i32
        %mul3A_158 = arith.constant 80 : i32
        %mul3A_159 = arith.muli %add3A_157, %mul3A_158 : i32
        %add3A_160 = arith.addi %add3A_22, %mul3A_159 : i32
        %dma_start3A_161 = tpu.memref_slice %arg3[%add3A_160] : memref<320000xi32, #tpu.memory_space<hbm>> -> memref<80xi32, #tpu.memory_space<hbm>>
        %dma_start3A_162 = tpu.memref_slice %arg3[%add3A_160] : memref<320000xi32, #tpu.memory_space<hbm>> -> memref<80xi32, #tpu.memory_space<hbm>>
        tpu.enqueue_dma source(%dma_start3A_162 : memref<80xi32, #tpu.memory_space<hbm>>) target(%arg9 : memref<80xi32, #tpu.memory_space<vmem>>) target_semaphore(%arg25 : memref<!tpu.dma_semaphore, #tpu.memory_space<semaphore_mem>>)
      } else {
      }
      %dma_wait3A_144 = tpu.memref_slice %arg4[%add3A_22] : memref<320000xi32, #tpu.memory_space<hbm>> -> memref<80xi32, #tpu.memory_space<hbm>>
      %dma_wait3A_145 = tpu.memref_slice %arg4[%add3A_22] : memref<320000xi32, #tpu.memory_space<hbm>> -> memref<80xi32, #tpu.memory_space<hbm>>
      tpu.wait_dma2 semaphore(%arg28 : memref<!tpu.dma_semaphore, #tpu.memory_space<semaphore_mem>>) src(%dma_wait3A_145 : memref<80xi32, #tpu.memory_space<hbm>>) dst(%arg12 : memref<80xi32, #tpu.memory_space<vmem>>)
      %dma_start3A_146 = arith.constant 0 : i32
      %dma_start3A_147 = arith.constant 0 : i32
      %dma_start3A_148 = tpu.memref_slice %arg16[%dma_start3A_146, %dma_start3A_147] : memref<10240x128xf32, #tpu.memory_space<vmem_shared>> -> memref<10240x128xf32, #tpu.memory_space<vmem_shared>>
      tpu.enqueue_indirect_dma source(%arg15 : memref<80x128xf32, #tpu.memory_space<vmem>>) target(%dma_start3A_148 : memref<10240x128xf32, #tpu.memory_space<vmem_shared>>) offsets(%arg12 : memref<80xi32, #tpu.memory_space<vmem>>) semaphore(%arg22 : memref<!tpu.dma_semaphore, #tpu.memory_space<semaphore_mem>>) {add = true}
      %add3A_149 = arith.constant 2 : i32
      %add3A_150 = arith.addi %add3A_133, %add3A_149 : i32
      %lt3A_151 = arith.constant 125 : i32
      %lt3A_152 = arith.cmpi slt, %add3A_150, %lt3A_151 : i32
      %convert_element_type3A_153 = arith.extui %lt3A_152 : i1 to i32
      %cond3A_154 = arith.constant 0 : i32
      %cond3A_155 = arith.cmpi ne, %convert_element_type3A_153, %cond3A_154 : i32
      scf.if %cond3A_155 {
        %ge3A = arith.constant 1 : i32
        %ge3A_156 = arith.cmpi sge, %add3A_133, %ge3A : i32
        %convert_element_type3A_157 = arith.extui %ge3A_156 : i1 to i32
        %cond3A_158 = arith.constant 0 : i32
        %cond3A_159 = arith.cmpi ne, %convert_element_type3A_157, %cond3A_158 : i32
        scf.if %cond3A_159 {
          %dma_wait3A_172 = arith.constant 0 : i32
          %dma_wait3A_173 = arith.constant 0 : i32
          %dma_wait3A_174 = tpu.memref_slice %arg16[%dma_wait3A_172, %dma_wait3A_173] : memref<10240x128xf32, #tpu.memory_space<vmem_shared>> -> memref<10240x128xf32, #tpu.memory_space<vmem_shared>>
          tpu.wait_indirect_dma semaphore(%arg21 : memref<!tpu.dma_semaphore, #tpu.memory_space<semaphore_mem>>) src(%arg14 : memref<80x128xf32, #tpu.memory_space<vmem>>) dst(%dma_wait3A_174 : memref<10240x128xf32, #tpu.memory_space<vmem_shared>>)
        } else {
        }
        %add3A_160 = arith.constant 2 : i32
        %add3A_161 = arith.addi %add3A_133, %add3A_160 : i32
        %mul3A_162 = arith.constant 80 : i32
        %mul3A_163 = arith.muli %add3A_161, %mul3A_162 : i32
        %add3A_164 = arith.addi %add3A_22, %mul3A_163 : i32
        %dma_start3A_165 = tpu.memref_slice %arg4[%add3A_164] : memref<320000xi32, #tpu.memory_space<hbm>> -> memref<80xi32, #tpu.memory_space<hbm>>
        %dma_start3A_166 = tpu.memref_slice %arg4[%add3A_164] : memref<320000xi32, #tpu.memory_space<hbm>> -> memref<80xi32, #tpu.memory_space<hbm>>
        tpu.enqueue_dma source(%dma_start3A_166 : memref<80xi32, #tpu.memory_space<hbm>>) target(%arg11 : memref<80xi32, #tpu.memory_space<vmem>>) target_semaphore(%arg27 : memref<!tpu.dma_semaphore, #tpu.memory_space<semaphore_mem>>)
        %dma_wait3A_167 = tpu.memref_slice %arg3[%add3A_22] : memref<320000xi32, #tpu.memory_space<hbm>> -> memref<80xi32, #tpu.memory_space<hbm>>
        %dma_wait3A_168 = tpu.memref_slice %arg3[%add3A_22] : memref<320000xi32, #tpu.memory_space<hbm>> -> memref<80xi32, #tpu.memory_space<hbm>>
        tpu.wait_dma2 semaphore(%arg24 : memref<!tpu.dma_semaphore, #tpu.memory_space<semaphore_mem>>) src(%dma_wait3A_168 : memref<80xi32, #tpu.memory_space<hbm>>) dst(%arg8 : memref<80xi32, #tpu.memory_space<vmem>>)
        %dma_start3A_169 = arith.constant 0 : i32
        %dma_start3A_170 = arith.constant 0 : i32
        %dma_start3A_171 = tpu.memref_slice %arg2[%dma_start3A_169, %dma_start3A_170] : memref<20000x128xf32, #tpu.memory_space<hbm>> -> memref<20000x128xf32, #tpu.memory_space<hbm>>
        tpu.enqueue_indirect_dma source(%dma_start3A_171 : memref<20000x128xf32, #tpu.memory_space<hbm>>) target(%arg14 : memref<80x128xf32, #tpu.memory_space<vmem>>) offsets(%arg8 : memref<80xi32, #tpu.memory_space<vmem>>) semaphore(%arg18 : memref<!tpu.dma_semaphore, #tpu.memory_space<semaphore_mem>>)
      } else {
      }
    }
    %scan3A_55 = arith.constant 41 : i32
    %dma_wait3A_56 = arith.constant 0 : i32
    %dma_wait3A_57 = arith.constant 0 : i32
    %dma_wait3A_58 = tpu.memref_slice %arg2[%dma_wait3A_56, %dma_wait3A_57] : memref<20000x128xf32, #tpu.memory_space<hbm>> -> memref<20000x128xf32, #tpu.memory_space<hbm>>
    tpu.wait_indirect_dma semaphore(%arg17 : memref<!tpu.dma_semaphore, #tpu.memory_space<semaphore_mem>>) src(%dma_wait3A_58 : memref<20000x128xf32, #tpu.memory_space<hbm>>) dst(%arg13 : memref<80x128xf32, #tpu.memory_space<vmem>>)
    %dma_wait3A_59 = tpu.memref_slice %arg4[%add3A_22] : memref<320000xi32, #tpu.memory_space<hbm>> -> memref<80xi32, #tpu.memory_space<hbm>>
    %dma_wait3A_60 = tpu.memref_slice %arg4[%add3A_22] : memref<320000xi32, #tpu.memory_space<hbm>> -> memref<80xi32, #tpu.memory_space<hbm>>
    tpu.wait_dma2 semaphore(%arg26 : memref<!tpu.dma_semaphore, #tpu.memory_space<semaphore_mem>>) src(%dma_wait3A_60 : memref<80xi32, #tpu.memory_space<hbm>>) dst(%arg10 : memref<80xi32, #tpu.memory_space<vmem>>)
    %dma_start3A_61 = arith.constant 0 : i32
    %dma_start3A_62 = arith.constant 0 : i32
    %dma_start3A_63 = tpu.memref_slice %arg16[%dma_start3A_61, %dma_start3A_62] : memref<10240x128xf32, #tpu.memory_space<vmem_shared>> -> memref<10240x128xf32, #tpu.memory_space<vmem_shared>>
    tpu.enqueue_indirect_dma source(%arg13 : memref<80x128xf32, #tpu.memory_space<vmem>>) target(%dma_start3A_63 : memref<10240x128xf32, #tpu.memory_space<vmem_shared>>) offsets(%arg10 : memref<80xi32, #tpu.memory_space<vmem>>) semaphore(%arg20 : memref<!tpu.dma_semaphore, #tpu.memory_space<semaphore_mem>>) {add = true}
    %dma_wait3A_64 = arith.constant 0 : i32
    %dma_wait3A_65 = arith.constant 0 : i32
    %dma_wait3A_66 = tpu.memref_slice %arg2[%dma_wait3A_64, %dma_wait3A_65] : memref<20000x128xf32, #tpu.memory_space<hbm>> -> memref<20000x128xf32, #tpu.memory_space<hbm>>
    tpu.wait_indirect_dma semaphore(%arg18 : memref<!tpu.dma_semaphore, #tpu.memory_space<semaphore_mem>>) src(%dma_wait3A_66 : memref<20000x128xf32, #tpu.memory_space<hbm>>) dst(%arg14 : memref<80x128xf32, #tpu.memory_space<vmem>>)
    %dma_wait3A_67 = tpu.memref_slice %arg4[%add3A_22] : memref<320000xi32, #tpu.memory_space<hbm>> -> memref<80xi32, #tpu.memory_space<hbm>>
    %dma_wait3A_68 = tpu.memref_slice %arg4[%add3A_22] : memref<320000xi32, #tpu.memory_space<hbm>> -> memref<80xi32, #tpu.memory_space<hbm>>
    tpu.wait_dma2 semaphore(%arg27 : memref<!tpu.dma_semaphore, #tpu.memory_space<semaphore_mem>>) src(%dma_wait3A_68 : memref<80xi32, #tpu.memory_space<hbm>>) dst(%arg11 : memref<80xi32, #tpu.memory_space<vmem>>)
    %dma_start3A_69 = arith.constant 0 : i32
    %dma_start3A_70 = arith.constant 0 : i32
    %dma_start3A_71 = tpu.memref_slice %arg16[%dma_start3A_69, %dma_start3A_70] : memref<10240x128xf32, #tpu.memory_space<vmem_shared>> -> memref<10240x128xf32, #tpu.memory_space<vmem_shared>>
    tpu.enqueue_indirect_dma source(%arg14 : memref<80x128xf32, #tpu.memory_space<vmem>>) target(%dma_start3A_71 : memref<10240x128xf32, #tpu.memory_space<vmem_shared>>) offsets(%arg11 : memref<80xi32, #tpu.memory_space<vmem>>) semaphore(%arg21 : memref<!tpu.dma_semaphore, #tpu.memory_space<semaphore_mem>>) {add = true}
    %dma_wait3A_72 = arith.constant 0 : i32
    %dma_wait3A_73 = arith.constant 0 : i32
    %dma_wait3A_74 = tpu.memref_slice %arg16[%dma_wait3A_72, %dma_wait3A_73] : memref<10240x128xf32, #tpu.memory_space<vmem_shared>> -> memref<10240x128xf32, #tpu.memory_space<vmem_shared>>
    tpu.wait_indirect_dma semaphore(%arg22 : memref<!tpu.dma_semaphore, #tpu.memory_space<semaphore_mem>>) src(%arg15 : memref<80x128xf32, #tpu.memory_space<vmem>>) dst(%dma_wait3A_74 : memref<10240x128xf32, #tpu.memory_space<vmem_shared>>)
    %dma_wait3A_75 = arith.constant 0 : i32
    %dma_wait3A_76 = arith.constant 0 : i32
    %dma_wait3A_77 = tpu.memref_slice %arg16[%dma_wait3A_75, %dma_wait3A_76] : memref<10240x128xf32, #tpu.memory_space<vmem_shared>> -> memref<10240x128xf32, #tpu.memory_space<vmem_shared>>
    tpu.wait_indirect_dma semaphore(%arg20 : memref<!tpu.dma_semaphore, #tpu.memory_space<semaphore_mem>>) src(%arg13 : memref<80x128xf32, #tpu.memory_space<vmem>>) dst(%dma_wait3A_77 : memref<10240x128xf32, #tpu.memory_space<vmem_shared>>)
    %dma_wait3A_78 = arith.constant 0 : i32
    %dma_wait3A_79 = arith.constant 0 : i32
    %dma_wait3A_80 = tpu.memref_slice %arg16[%dma_wait3A_78, %dma_wait3A_79] : memref<10240x128xf32, #tpu.memory_space<vmem_shared>> -> memref<10240x128xf32, #tpu.memory_space<vmem_shared>>
    tpu.wait_indirect_dma semaphore(%arg21 : memref<!tpu.dma_semaphore, #tpu.memory_space<semaphore_mem>>) src(%arg14 : memref<80x128xf32, #tpu.memory_space<vmem>>) dst(%dma_wait3A_80 : memref<10240x128xf32, #tpu.memory_space<vmem_shared>>)
    %barrier3A_81 = arith.constant 0 : index
    tpu.barrier barrier_id(%barrier3A_81)
    %mul3A_82 = arith.constant 640 : i32
    %mul3A_83 = arith.muli %arg1, %mul3A_82 : i32
    %mul3A_84 = arith.constant 640 : i32
    %mul3A_85 = arith.muli %arg1, %mul3A_84 : i32
    "tpu.region"() ({
      %run_scoped3A = tpu.sem_alloc : memref<!tpu.dma_semaphore, #tpu.memory_space<semaphore_mem>>
      %dma_start3A_86 = arith.constant 0 : i32
      %dma_start3A_87 = tpu.memref_slice %arg6[%arg0, %mul3A_85, %dma_start3A_86] : memref<2x10240x128xf32, #tpu.memory_space<hbm>> -> memref<1x640x128xf32, #tpu.memory_space<hbm>>
      %dma_start3A_88 = tpu.memref_squeeze %dma_start3A_87 : memref<1x640x128xf32, #tpu.memory_space<hbm>> -> memref<640x128xf32, #tpu.memory_space<hbm>>
      %dma_start3A_89 = arith.constant 0 : i32
      %dma_start3A_90 = tpu.memref_slice %arg16[%mul3A_83, %dma_start3A_89] : memref<10240x128xf32, #tpu.memory_space<vmem_shared>> -> memref<640x128xf32, #tpu.memory_space<vmem_shared>>
      tpu.enqueue_dma source(%dma_start3A_90 : memref<640x128xf32, #tpu.memory_space<vmem_shared>>) target(%dma_start3A_88 : memref<640x128xf32, #tpu.memory_space<hbm>>) target_semaphore(%run_scoped3A : memref<!tpu.dma_semaphore, #tpu.memory_space<semaphore_mem>>)
      %dma_wait3A_91 = arith.constant 0 : i32
      %dma_wait3A_92 = tpu.memref_slice %arg6[%arg0, %mul3A_85, %dma_wait3A_91] : memref<2x10240x128xf32, #tpu.memory_space<hbm>> -> memref<1x640x128xf32, #tpu.memory_space<hbm>>
      %dma_wait3A_93 = tpu.memref_squeeze %dma_wait3A_92 : memref<1x640x128xf32, #tpu.memory_space<hbm>> -> memref<640x128xf32, #tpu.memory_space<hbm>>
      %dma_wait3A_94 = arith.constant 0 : i32
      %dma_wait3A_95 = tpu.memref_slice %arg16[%mul3A_83, %dma_wait3A_94] : memref<10240x128xf32, #tpu.memory_space<vmem_shared>> -> memref<640x128xf32, #tpu.memory_space<vmem_shared>>
      tpu.wait_dma2 semaphore(%run_scoped3A : memref<!tpu.dma_semaphore, #tpu.memory_space<semaphore_mem>>) src(%dma_wait3A_95 : memref<640x128xf32, #tpu.memory_space<vmem_shared>>) dst(%dma_wait3A_93 : memref<640x128xf32, #tpu.memory_space<hbm>>)
      tpu.yield
    }) : () -> ()
    return
  }
}

#map = affine_map<(d0, d1) -> (0, 0, 0, 0)>
#map1 = affine_map<(d0, d1) -> (0)>
module attributes {stable_mosaic.version = 14 : i64} {
  func.func @_deg_body(%arg0: i32, %arg1: i32, %arg2: memref<2x16x125x80xi32, #tpu.memory_space<hbm>>, %arg3: memref<2x16x125x80xi32, #tpu.memory_space<hbm>>, %arg4: memref<10240xf32, #tpu.memory_space<hbm>>, %arg5: memref<655360xf32, #tpu.memory_space<hbm>>, %arg6: memref<125x80xi32, #tpu.memory_space<vmem>>, %arg7: memref<125x80xi32, #tpu.memory_space<vmem>>, %arg8: memref<10240xf32, #tpu.memory_space<vmem>>, %arg9: memref<10240xf32, #tpu.memory_space<vmem>>) attributes {dimension_semantics = [#tpu.dimension_semantics<core_parallel>, #tpu.dimension_semantics<subcore_parallel>], iteration_bounds = array<i64: 2, 16>, scalar_prefetch = 0 : i64, scratch_operands = 4 : i64, tpu.core_type = #tpu.core_type<sc_vector_subcore>, window_params = [{transform_indices = #map}, {transform_indices = #map}, {transform_indices = #map1}, {transform_indices = #map1}]} {
    "tpu.region"() ({
      %run_scoped3A = tpu.sem_alloc : memref<!tpu.dma_semaphore, #tpu.memory_space<semaphore_mem>>
      %dma_start3A = arith.constant 0 : i32
      %dma_start3A_22 = arith.constant 0 : i32
      %dma_start3A_23 = tpu.memref_slice %arg2[%arg0, %arg1, %dma_start3A, %dma_start3A_22] : memref<2x16x125x80xi32, #tpu.memory_space<hbm>> -> memref<1x1x125x80xi32, #tpu.memory_space<hbm>>
      %dma_start3A_24 = tpu.memref_squeeze %dma_start3A_23 : memref<1x1x125x80xi32, #tpu.memory_space<hbm>> -> memref<125x80xi32, #tpu.memory_space<hbm>>
      %dma_start3A_25 = arith.constant 0 : i32
      %dma_start3A_26 = arith.constant 0 : i32
      %dma_start3A_27 = tpu.memref_slice %arg2[%arg0, %arg1, %dma_start3A_25, %dma_start3A_26] : memref<2x16x125x80xi32, #tpu.memory_space<hbm>> -> memref<1x1x125x80xi32, #tpu.memory_space<hbm>>
      %dma_start3A_28 = tpu.memref_squeeze %dma_start3A_27 : memref<1x1x125x80xi32, #tpu.memory_space<hbm>> -> memref<125x80xi32, #tpu.memory_space<hbm>>
      tpu.enqueue_dma source(%dma_start3A_28 : memref<125x80xi32, #tpu.memory_space<hbm>>) target(%arg6 : memref<125x80xi32, #tpu.memory_space<vmem>>) target_semaphore(%run_scoped3A : memref<!tpu.dma_semaphore, #tpu.memory_space<semaphore_mem>>)
      %dma_wait3A = arith.constant 0 : i32
      %dma_wait3A_29 = arith.constant 0 : i32
      %dma_wait3A_30 = tpu.memref_slice %arg2[%arg0, %arg1, %dma_wait3A, %dma_wait3A_29] : memref<2x16x125x80xi32, #tpu.memory_space<hbm>> -> memref<1x1x125x80xi32, #tpu.memory_space<hbm>>
      %dma_wait3A_31 = tpu.memref_squeeze %dma_wait3A_30 : memref<1x1x125x80xi32, #tpu.memory_space<hbm>> -> memref<125x80xi32, #tpu.memory_space<hbm>>
      %dma_wait3A_32 = arith.constant 0 : i32
      %dma_wait3A_33 = arith.constant 0 : i32
      %dma_wait3A_34 = tpu.memref_slice %arg2[%arg0, %arg1, %dma_wait3A_32, %dma_wait3A_33] : memref<2x16x125x80xi32, #tpu.memory_space<hbm>> -> memref<1x1x125x80xi32, #tpu.memory_space<hbm>>
      %dma_wait3A_35 = tpu.memref_squeeze %dma_wait3A_34 : memref<1x1x125x80xi32, #tpu.memory_space<hbm>> -> memref<125x80xi32, #tpu.memory_space<hbm>>
      tpu.wait_dma2 semaphore(%run_scoped3A : memref<!tpu.dma_semaphore, #tpu.memory_space<semaphore_mem>>) src(%dma_wait3A_35 : memref<125x80xi32, #tpu.memory_space<hbm>>) dst(%arg6 : memref<125x80xi32, #tpu.memory_space<vmem>>)
      tpu.yield
    }) : () -> ()
    "tpu.region"() ({
      %run_scoped3A = tpu.sem_alloc : memref<!tpu.dma_semaphore, #tpu.memory_space<semaphore_mem>>
      %dma_start3A = arith.constant 0 : i32
      %dma_start3A_22 = arith.constant 0 : i32
      %dma_start3A_23 = tpu.memref_slice %arg3[%arg0, %arg1, %dma_start3A, %dma_start3A_22] : memref<2x16x125x80xi32, #tpu.memory_space<hbm>> -> memref<1x1x125x80xi32, #tpu.memory_space<hbm>>
      %dma_start3A_24 = tpu.memref_squeeze %dma_start3A_23 : memref<1x1x125x80xi32, #tpu.memory_space<hbm>> -> memref<125x80xi32, #tpu.memory_space<hbm>>
      %dma_start3A_25 = arith.constant 0 : i32
      %dma_start3A_26 = arith.constant 0 : i32
      %dma_start3A_27 = tpu.memref_slice %arg3[%arg0, %arg1, %dma_start3A_25, %dma_start3A_26] : memref<2x16x125x80xi32, #tpu.memory_space<hbm>> -> memref<1x1x125x80xi32, #tpu.memory_space<hbm>>
      %dma_start3A_28 = tpu.memref_squeeze %dma_start3A_27 : memref<1x1x125x80xi32, #tpu.memory_space<hbm>> -> memref<125x80xi32, #tpu.memory_space<hbm>>
      tpu.enqueue_dma source(%dma_start3A_28 : memref<125x80xi32, #tpu.memory_space<hbm>>) target(%arg7 : memref<125x80xi32, #tpu.memory_space<vmem>>) target_semaphore(%run_scoped3A : memref<!tpu.dma_semaphore, #tpu.memory_space<semaphore_mem>>)
      %dma_wait3A = arith.constant 0 : i32
      %dma_wait3A_29 = arith.constant 0 : i32
      %dma_wait3A_30 = tpu.memref_slice %arg3[%arg0, %arg1, %dma_wait3A, %dma_wait3A_29] : memref<2x16x125x80xi32, #tpu.memory_space<hbm>> -> memref<1x1x125x80xi32, #tpu.memory_space<hbm>>
      %dma_wait3A_31 = tpu.memref_squeeze %dma_wait3A_30 : memref<1x1x125x80xi32, #tpu.memory_space<hbm>> -> memref<125x80xi32, #tpu.memory_space<hbm>>
      %dma_wait3A_32 = arith.constant 0 : i32
      %dma_wait3A_33 = arith.constant 0 : i32
      %dma_wait3A_34 = tpu.memref_slice %arg3[%arg0, %arg1, %dma_wait3A_32, %dma_wait3A_33] : memref<2x16x125x80xi32, #tpu.memory_space<hbm>> -> memref<1x1x125x80xi32, #tpu.memory_space<hbm>>
      %dma_wait3A_35 = tpu.memref_squeeze %dma_wait3A_34 : memref<1x1x125x80xi32, #tpu.memory_space<hbm>> -> memref<125x80xi32, #tpu.memory_space<hbm>>
      tpu.wait_dma2 semaphore(%run_scoped3A : memref<!tpu.dma_semaphore, #tpu.memory_space<semaphore_mem>>) src(%dma_wait3A_35 : memref<125x80xi32, #tpu.memory_space<hbm>>) dst(%arg7 : memref<125x80xi32, #tpu.memory_space<vmem>>)
      tpu.yield
    }) : () -> ()
    "tpu.region"() ({
      %run_scoped3A = tpu.sem_alloc : memref<!tpu.dma_semaphore, #tpu.memory_space<semaphore_mem>>
      tpu.enqueue_dma source(%arg4 : memref<10240xf32, #tpu.memory_space<hbm>>) target(%arg8 : memref<10240xf32, #tpu.memory_space<vmem>>) target_semaphore(%run_scoped3A : memref<!tpu.dma_semaphore, #tpu.memory_space<semaphore_mem>>)
      tpu.wait_dma2 semaphore(%run_scoped3A : memref<!tpu.dma_semaphore, #tpu.memory_space<semaphore_mem>>) src(%arg4 : memref<10240xf32, #tpu.memory_space<hbm>>) dst(%arg8 : memref<10240xf32, #tpu.memory_space<vmem>>)
      tpu.yield
    }) : () -> ()
    "tpu.region"() ({
      %run_scoped3A = tpu.sem_alloc : memref<!tpu.dma_semaphore, #tpu.memory_space<semaphore_mem>>
      tpu.enqueue_dma source(%arg4 : memref<10240xf32, #tpu.memory_space<hbm>>) target(%arg9 : memref<10240xf32, #tpu.memory_space<vmem>>) target_semaphore(%run_scoped3A : memref<!tpu.dma_semaphore, #tpu.memory_space<semaphore_mem>>)
      tpu.wait_dma2 semaphore(%run_scoped3A : memref<!tpu.dma_semaphore, #tpu.memory_space<semaphore_mem>>) src(%arg4 : memref<10240xf32, #tpu.memory_space<hbm>>) dst(%arg9 : memref<10240xf32, #tpu.memory_space<vmem>>)
      tpu.yield
    }) : () -> ()
    %broadcast_in_dim3A = arith.constant 1.000000e+00 : f32
    %broadcast_in_dim3A_0 = vector.broadcast %broadcast_in_dim3A : f32 to vector<16xf32>
    %scan3A = arith.constant 0 : i32
    %scan3A_1 = arith.constant 0 : i32
    %scan3A_2 = arith.constant 125 : i32
    %scan3A_3 = arith.addi %scan3A_1, %scan3A_2 : i32
    %scan3A_4 = arith.constant 1 : i32
    scf.for %scan3A_22 = %scan3A_1 to %scan3A_3 step %scan3A_4  : i32 {
      %get3A = arith.index_cast %scan3A_22 : i32 to index
      %get3A_23 = arith.constant 0 : index
      %get3A_24 = tpu.vector_load %arg6[%get3A, %get3A_23] {strides = array<i32>} : memref<125x80xi32, #tpu.memory_space<vmem>>, vector<16xi32>,
      tpu.vector_store_idx %arg8[%get3A_24], %broadcast_in_dim3A_0 {add = true} : memref<10240xf32, #tpu.memory_space<vmem>>[vector<16xi32>], vector<16xf32>,
      %get3A_25 = arith.index_cast %scan3A_22 : i32 to index
      %get3A_26 = arith.constant 0 : index
      %get3A_27 = tpu.vector_load %arg7[%get3A_25, %get3A_26] {strides = array<i32>} : memref<125x80xi32, #tpu.memory_space<vmem>>, vector<16xi32>,
      tpu.vector_store_idx %arg9[%get3A_27], %broadcast_in_dim3A_0 {add = true} : memref<10240xf32, #tpu.memory_space<vmem>>[vector<16xi32>], vector<16xf32>,
      %get3A_28 = arith.index_cast %scan3A_22 : i32 to index
      %get3A_29 = arith.constant 16 : index
      %get3A_30 = tpu.vector_load %arg6[%get3A_28, %get3A_29] {strides = array<i32>} : memref<125x80xi32, #tpu.memory_space<vmem>>, vector<16xi32>,
      tpu.vector_store_idx %arg8[%get3A_30], %broadcast_in_dim3A_0 {add = true} : memref<10240xf32, #tpu.memory_space<vmem>>[vector<16xi32>], vector<16xf32>,
      %get3A_31 = arith.index_cast %scan3A_22 : i32 to index
      %get3A_32 = arith.constant 16 : index
      %get3A_33 = tpu.vector_load %arg7[%get3A_31, %get3A_32] {strides = array<i32>} : memref<125x80xi32, #tpu.memory_space<vmem>>, vector<16xi32>,
      tpu.vector_store_idx %arg9[%get3A_33], %broadcast_in_dim3A_0 {add = true} : memref<10240xf32, #tpu.memory_space<vmem>>[vector<16xi32>], vector<16xf32>,
      %get3A_34 = arith.index_cast %scan3A_22 : i32 to index
      %get3A_35 = arith.constant 32 : index
      %get3A_36 = tpu.vector_load %arg6[%get3A_34, %get3A_35] {strides = array<i32>} : memref<125x80xi32, #tpu.memory_space<vmem>>, vector<16xi32>,
      tpu.vector_store_idx %arg8[%get3A_36], %broadcast_in_dim3A_0 {add = true} : memref<10240xf32, #tpu.memory_space<vmem>>[vector<16xi32>], vector<16xf32>,
      %get3A_37 = arith.index_cast %scan3A_22 : i32 to index
      %get3A_38 = arith.constant 32 : index
      %get3A_39 = tpu.vector_load %arg7[%get3A_37, %get3A_38] {strides = array<i32>} : memref<125x80xi32, #tpu.memory_space<vmem>>, vector<16xi32>,
      tpu.vector_store_idx %arg9[%get3A_39], %broadcast_in_dim3A_0 {add = true} : memref<10240xf32, #tpu.memory_space<vmem>>[vector<16xi32>], vector<16xf32>,
      %get3A_40 = arith.index_cast %scan3A_22 : i32 to index
      %get3A_41 = arith.constant 48 : index
      %get3A_42 = tpu.vector_load %arg6[%get3A_40, %get3A_41] {strides = array<i32>} : memref<125x80xi32, #tpu.memory_space<vmem>>, vector<16xi32>,
      tpu.vector_store_idx %arg8[%get3A_42], %broadcast_in_dim3A_0 {add = true} : memref<10240xf32, #tpu.memory_space<vmem>>[vector<16xi32>], vector<16xf32>,
      %get3A_43 = arith.index_cast %scan3A_22 : i32 to index
      %get3A_44 = arith.constant 48 : index
      %get3A_45 = tpu.vector_load %arg7[%get3A_43, %get3A_44] {strides = array<i32>} : memref<125x80xi32, #tpu.memory_space<vmem>>, vector<16xi32>,
      tpu.vector_store_idx %arg9[%get3A_45], %broadcast_in_dim3A_0 {add = true} : memref<10240xf32, #tpu.memory_space<vmem>>[vector<16xi32>], vector<16xf32>,
      %get3A_46 = arith.index_cast %scan3A_22 : i32 to index
      %get3A_47 = arith.constant 64 : index
      %get3A_48 = tpu.vector_load %arg6[%get3A_46, %get3A_47] {strides = array<i32>} : memref<125x80xi32, #tpu.memory_space<vmem>>, vector<16xi32>,
      tpu.vector_store_idx %arg8[%get3A_48], %broadcast_in_dim3A_0 {add = true} : memref<10240xf32, #tpu.memory_space<vmem>>[vector<16xi32>], vector<16xf32>,
      %get3A_49 = arith.index_cast %scan3A_22 : i32 to index
      %get3A_50 = arith.constant 64 : index
      %get3A_51 = tpu.vector_load %arg7[%get3A_49, %get3A_50] {strides = array<i32>} : memref<125x80xi32, #tpu.memory_space<vmem>>, vector<16xi32>,
      tpu.vector_store_idx %arg9[%get3A_51], %broadcast_in_dim3A_0 {add = true} : memref<10240xf32, #tpu.memory_space<vmem>>[vector<16xi32>], vector<16xf32>,
    }
    %scan3A_5 = arith.constant 125 : i32
    %mul3A = arith.constant 2 : i32
    %mul3A_6 = arith.muli %arg0, %mul3A : i32
    %add3A = arith.constant 0 : i32
    %add3A_7 = arith.addi %mul3A_6, %add3A : i32
    %mul3A_8 = arith.constant 16 : i32
    %mul3A_9 = arith.muli %add3A_7, %mul3A_8 : i32
    %add3A_10 = arith.addi %mul3A_9, %arg1 : i32
    %mul3A_11 = arith.constant 10240 : i32
    %mul3A_12 = arith.muli %add3A_10, %mul3A_11 : i32
    "tpu.region"() ({
      %run_scoped3A = tpu.sem_alloc : memref<!tpu.dma_semaphore, #tpu.memory_space<semaphore_mem>>
      %dma_start3A = tpu.memref_slice %arg5[%mul3A_12] : memref<655360xf32, #tpu.memory_space<hbm>> -> memref<10240xf32, #tpu.memory_space<hbm>>
      %dma_start3A_22 = tpu.memref_slice %arg5[%mul3A_12] : memref<655360xf32, #tpu.memory_space<hbm>> -> memref<10240xf32, #tpu.memory_space<hbm>>
      tpu.enqueue_dma source(%arg8 : memref<10240xf32, #tpu.memory_space<vmem>>) target(%dma_start3A_22 : memref<10240xf32, #tpu.memory_space<hbm>>) target_semaphore(%run_scoped3A : memref<!tpu.dma_semaphore, #tpu.memory_space<semaphore_mem>>)
      %dma_wait3A = tpu.memref_slice %arg5[%mul3A_12] : memref<655360xf32, #tpu.memory_space<hbm>> -> memref<10240xf32, #tpu.memory_space<hbm>>
      %dma_wait3A_23 = tpu.memref_slice %arg5[%mul3A_12] : memref<655360xf32, #tpu.memory_space<hbm>> -> memref<10240xf32, #tpu.memory_space<hbm>>
      tpu.wait_dma2 semaphore(%run_scoped3A : memref<!tpu.dma_semaphore, #tpu.memory_space<semaphore_mem>>) src(%arg8 : memref<10240xf32, #tpu.memory_space<vmem>>) dst(%dma_wait3A_23 : memref<10240xf32, #tpu.memory_space<hbm>>)
      tpu.yield
    }) : () -> ()
    %mul3A_13 = arith.constant 2 : i32
    %mul3A_14 = arith.muli %arg0, %mul3A_13 : i32
    %add3A_15 = arith.constant 1 : i32
    %add3A_16 = arith.addi %mul3A_14, %add3A_15 : i32
    %mul3A_17 = arith.constant 16 : i32
    %mul3A_18 = arith.muli %add3A_16, %mul3A_17 : i32
    %add3A_19 = arith.addi %mul3A_18, %arg1 : i32
    %mul3A_20 = arith.constant 10240 : i32
    %mul3A_21 = arith.muli %add3A_19, %mul3A_20 : i32
    "tpu.region"() ({
      %run_scoped3A = tpu.sem_alloc : memref<!tpu.dma_semaphore, #tpu.memory_space<semaphore_mem>>
      %dma_start3A = tpu.memref_slice %arg5[%mul3A_21] : memref<655360xf32, #tpu.memory_space<hbm>> -> memref<10240xf32, #tpu.memory_space<hbm>>
      %dma_start3A_22 = tpu.memref_slice %arg5[%mul3A_21] : memref<655360xf32, #tpu.memory_space<hbm>> -> memref<10240xf32, #tpu.memory_space<hbm>>
      tpu.enqueue_dma source(%arg9 : memref<10240xf32, #tpu.memory_space<vmem>>) target(%dma_start3A_22 : memref<10240xf32, #tpu.memory_space<hbm>>) target_semaphore(%run_scoped3A : memref<!tpu.dma_semaphore, #tpu.memory_space<semaphore_mem>>)
      %dma_wait3A = tpu.memref_slice %arg5[%mul3A_21] : memref<655360xf32, #tpu.memory_space<hbm>> -> memref<10240xf32, #tpu.memory_space<hbm>>
      %dma_wait3A_23 = tpu.memref_slice %arg5[%mul3A_21] : memref<655360xf32, #tpu.memory_space<hbm>> -> memref<10240xf32, #tpu.memory_space<hbm>>
      tpu.wait_dma2 semaphore(%run_scoped3A : memref<!tpu.dma_semaphore, #tpu.memory_space<semaphore_mem>>) src(%arg9 : memref<10240xf32, #tpu.memory_space<vmem>>) dst(%dma_wait3A_23 : memref<10240xf32, #tpu.memory_space<hbm>>)
      tpu.yield
    }) : () -> ()
    return
  }
}

module attributes {stable_mosaic.version = 14 : i64} {
  func.func @_scale_body(%arg0: i32, %arg1: memref<2048x128xf32, #tpu.memory_space<vmem>>, %arg2: memref<2x2x16x16x128xf32, #tpu.memory_space<vmem>>, %arg3: memref<2x2048x128xf32, #tpu.memory_space<vmem>>) attributes {dimension_semantics = [#tpu.dimension_semantics<arbitrary>], iteration_bounds = array<i64: 5>, scalar_prefetch = 0 : i64, scratch_operands = 0 : i64, tpu.core_type = #tpu.core_type<tc>, window_params = [{transform_indices = @transform_0, window_bounds = array<i64: 2048, 128>}, {transform_indices = @transform_1, window_bounds = array<i64: 2, 2, 16, 16, 128>}, {transform_indices = @transform_2, window_bounds = array<i64: 2, 2048, 128>}]} {
    %get3A = arith.constant 0 : index
    %get3A_0 = arith.constant 0 : index
    %get3A_1 = vector.load %arg1[%get3A, %get3A_0] : memref<2048x128xf32, #tpu.memory_space<vmem>>, vector<2048x128xf32>
    %reshape3A = vector.shape_cast %get3A_1 : vector<2048x128xf32> to vector<16x128x128xf32>
    %get3A_2 = arith.constant 0 : index
    %get3A_3 = arith.constant 0 : index
    %get3A_4 = arith.constant 0 : index
    %get3A_5 = arith.constant 0 : index
    %get3A_6 = arith.constant 0 : index
    %get3A_7 = vector.load %arg2[%get3A_2, %get3A_3, %get3A_4, %get3A_5, %get3A_6] : memref<2x2x16x16x128xf32, #tpu.memory_space<vmem>>, vector<2x2x16x16x128xf32>
    %reduce_sum3A = arith.constant dense<0.000000e+00> : vector<2x2x16x128xf32>
    %reduce_sum3A_8 = vector.multi_reduction <add>, %get3A_7, %reduce_sum3A [2] : vector<2x2x16x16x128xf32> to vector<2x2x16x128xf32>
    %slice3A = vector.extract_strided_slice %reduce_sum3A_8 {offsets = [0, 0, 0, 0], sizes = [2, 1, 16, 128], strides = [1, 1, 1, 1]} : vector<2x2x16x128xf32> to vector<2x1x16x128xf32>
    %squeeze3A = vector.shape_cast %slice3A : vector<2x1x16x128xf32> to vector<2x16x128xf32>
    %max3A = arith.constant 1.000000e+00 : f32
    %max3A_9 = vector.broadcast %max3A : f32 to vector<2x16x128xf32>
    %max3A_10 = arith.maximumf %squeeze3A, %max3A_9 : vector<2x16x128xf32>
    %rsqrt3A = math.rsqrt %max3A_10 : vector<2x16x128xf32>
    %slice3A_11 = vector.extract_strided_slice %rsqrt3A {offsets = [0, 0, 0], sizes = [1, 16, 128], strides = [1, 1, 1]} : vector<2x16x128xf32> to vector<1x16x128xf32>
    %squeeze3A_12 = vector.shape_cast %slice3A_11 : vector<1x16x128xf32> to vector<16x128xf32>
    %broadcast_in_dim3A = vector.shape_cast %squeeze3A_12 : vector<16x128xf32> to vector<16x128x1xf32>
    %mul3A = vector.broadcast %broadcast_in_dim3A : vector<16x128x1xf32> to vector<16x128x128xf32>
    %mul3A_13 = arith.mulf %reshape3A, %mul3A : vector<16x128x128xf32>
    %reshape3A_14 = vector.shape_cast %mul3A_13 : vector<16x128x128xf32> to vector<2048x128xf32>
    %swap3A = arith.constant 0 : index
    %swap3A_15 = arith.constant 0 : index
    %swap3A_16 = arith.constant 0 : index
    %swap3A_17 = vector.load %arg3[%swap3A, %swap3A_15, %swap3A_16] : memref<2x2048x128xf32, #tpu.memory_space<vmem>>, vector<1x2048x128xf32>
    %swap3A_18 = vector.shape_cast %swap3A_17 : vector<1x2048x128xf32> to vector<2048x128xf32>
    %swap3A_19 = vector.shape_cast %reshape3A_14 : vector<2048x128xf32> to vector<1x2048x128xf32>
    tpu.vector_store %arg3[%swap3A, %swap3A_15, %swap3A_16], %swap3A_19 {strides = array<i32>} : memref<2x2048x128xf32, #tpu.memory_space<vmem>>, vector<1x2048x128xf32>,
    %slice3A_20 = vector.extract_strided_slice %rsqrt3A {offsets = [1, 0, 0], sizes = [1, 16, 128], strides = [1, 1, 1]} : vector<2x16x128xf32> to vector<1x16x128xf32>
    %squeeze3A_21 = vector.shape_cast %slice3A_20 : vector<1x16x128xf32> to vector<16x128xf32>
    %broadcast_in_dim3A_22 = vector.shape_cast %squeeze3A_21 : vector<16x128xf32> to vector<16x128x1xf32>
    %mul3A_23 = vector.broadcast %broadcast_in_dim3A_22 : vector<16x128x1xf32> to vector<16x128x128xf32>
    %mul3A_24 = arith.mulf %reshape3A, %mul3A_23 : vector<16x128x128xf32>
    %reshape3A_25 = vector.shape_cast %mul3A_24 : vector<16x128x128xf32> to vector<2048x128xf32>
    %swap3A_26 = arith.constant 1 : index
    %swap3A_27 = arith.constant 0 : index
    %swap3A_28 = arith.constant 0 : index
    %swap3A_29 = vector.load %arg3[%swap3A_26, %swap3A_27, %swap3A_28] : memref<2x2048x128xf32, #tpu.memory_space<vmem>>, vector<1x2048x128xf32>
    %swap3A_30 = vector.shape_cast %swap3A_29 : vector<1x2048x128xf32> to vector<2048x128xf32>
    %swap3A_31 = vector.shape_cast %reshape3A_25 : vector<2048x128xf32> to vector<1x2048x128xf32>
    tpu.vector_store %arg3[%swap3A_26, %swap3A_27, %swap3A_28], %swap3A_31 {strides = array<i32>} : memref<2x2048x128xf32, #tpu.memory_space<vmem>>, vector<1x2048x128xf32>,
    return
  }
  func.func @transform_0(%arg0: i32) -> (i32, i32) {
    %c0_i32 = arith.constant 0 : i32
    %c0_i32_0 = arith.constant 0 : i32
    return %arg0, %c0_i32 : i32, i32
  }
  func.func @transform_1(%arg0: i32) -> (i32, i32, i32, i32, i32) {
    %c0_i32 = arith.constant 0 : i32
    %c0_i32_0 = arith.constant 0 : i32
    %c0_i32_1 = arith.constant 0 : i32
    %c0_i32_2 = arith.constant 0 : i32
    %c0_i32_3 = arith.constant 0 : i32
    return %c0_i32, %c0_i32_0, %c0_i32_1, %arg0, %c0_i32_2 : i32, i32, i32, i32, i32
  }
  func.func @transform_2(%arg0: i32) -> (i32, i32, i32) {
    %c0_i32 = arith.constant 0 : i32
    %c0_i32_0 = arith.constant 0 : i32
    %c0_i32_1 = arith.constant 0 : i32
    return %c0_i32, %arg0, %c0_i32_0 : i32, i32, i32
  }
}

module attributes {stable_mosaic.version = 14 : i64} {
  func.func @_combine_body(%arg0: i32, %arg1: memref<2x2048x128xf32, #tpu.memory_space<vmem>>, %arg2: memref<2x2x16x16x128xf32, #tpu.memory_space<vmem>>, %arg3: memref<128x128xf32, #tpu.memory_space<vmem>>, %arg4: memref<128x128xf32, #tpu.memory_space<vmem>>, %arg5: memref<1x128xf32, #tpu.memory_space<vmem>>, %arg6: memref<1x128xf32, #tpu.memory_space<vmem>>, %arg7: memref<2048x128xf32, #tpu.memory_space<vmem>>) attributes {dimension_semantics = [#tpu.dimension_semantics<arbitrary>], iteration_bounds = array<i64: 5>, scalar_prefetch = 0 : i64, scratch_operands = 0 : i64, tpu.core_type = #tpu.core_type<tc>, window_params = [{transform_indices = @transform_0, window_bounds = array<i64: 2, 2048, 128>}, {transform_indices = @transform_1, window_bounds = array<i64: 2, 2, 16, 16, 128>}, {pipeline_mode = #tpu.pipeline_mode<synchronous>, transform_indices = @transform_2, window_bounds = array<i64: 128, 128>}, {pipeline_mode = #tpu.pipeline_mode<synchronous>, transform_indices = @transform_3, window_bounds = array<i64: 128, 128>}, {pipeline_mode = #tpu.pipeline_mode<synchronous>, transform_indices = @transform_4, window_bounds = array<i64: 1, 128>}, {pipeline_mode = #tpu.pipeline_mode<synchronous>, transform_indices = @transform_5, window_bounds = array<i64: 1, 128>}, {transform_indices = @transform_6, window_bounds = array<i64: 2048, 128>}]} {
    %get3A = arith.constant 0 : index
    %get3A_0 = arith.constant 0 : index
    %get3A_1 = arith.constant 0 : index
    %get3A_2 = arith.constant 0 : index
    %get3A_3 = arith.constant 0 : index
    %get3A_4 = vector.load %arg2[%get3A, %get3A_0, %get3A_1, %get3A_2, %get3A_3] : memref<2x2x16x16x128xf32, #tpu.memory_space<vmem>>, vector<2x2x16x16x128xf32>
    %reduce_sum3A = arith.constant dense<0.000000e+00> : vector<2x2x16x128xf32>
    %reduce_sum3A_5 = vector.multi_reduction <add>, %get3A_4, %reduce_sum3A [2] : vector<2x2x16x16x128xf32> to vector<2x2x16x128xf32>
    %slice3A = vector.extract_strided_slice %reduce_sum3A_5 {offsets = [0, 1, 0, 0], sizes = [2, 1, 16, 128], strides = [1, 1, 1, 1]} : vector<2x2x16x128xf32> to vector<2x1x16x128xf32>
    %squeeze3A = vector.shape_cast %slice3A : vector<2x1x16x128xf32> to vector<2x16x128xf32>
    %max3A = arith.constant 1.000000e+00 : f32
    %max3A_6 = vector.broadcast %max3A : f32 to vector<2x16x128xf32>
    %max3A_7 = arith.maximumf %squeeze3A, %max3A_6 : vector<2x16x128xf32>
    %rsqrt3A = math.rsqrt %max3A_7 : vector<2x16x128xf32>
    %get3A_8 = arith.constant 0 : index
    %get3A_9 = arith.constant 0 : index
    %get3A_10 = arith.constant 0 : index
    %get3A_11 = vector.load %arg1[%get3A_8, %get3A_9, %get3A_10] : memref<2x2048x128xf32, #tpu.memory_space<vmem>>, vector<2x2048x128xf32>
    %slice3A_12 = vector.extract_strided_slice %get3A_11 {offsets = [0, 0, 0], sizes = [1, 2048, 128], strides = [1, 1, 1]} : vector<2x2048x128xf32> to vector<1x2048x128xf32>
    %squeeze3A_13 = vector.shape_cast %slice3A_12 : vector<1x2048x128xf32> to vector<2048x128xf32>
    %reshape3A = vector.shape_cast %squeeze3A_13 : vector<2048x128xf32> to vector<16x128x128xf32>
    %slice3A_14 = vector.extract_strided_slice %rsqrt3A {offsets = [0, 0, 0], sizes = [1, 16, 128], strides = [1, 1, 1]} : vector<2x16x128xf32> to vector<1x16x128xf32>
    %squeeze3A_15 = vector.shape_cast %slice3A_14 : vector<1x16x128xf32> to vector<16x128xf32>
    %broadcast_in_dim3A = vector.shape_cast %squeeze3A_15 : vector<16x128xf32> to vector<16x128x1xf32>
    %mul3A = vector.broadcast %broadcast_in_dim3A : vector<16x128x1xf32> to vector<16x128x128xf32>
    %mul3A_16 = arith.mulf %reshape3A, %mul3A : vector<16x128x128xf32>
    %reshape3A_17 = vector.shape_cast %mul3A_16 : vector<16x128x128xf32> to vector<2048x128xf32>
    %slice3A_18 = vector.extract_strided_slice %get3A_11 {offsets = [1, 0, 0], sizes = [1, 2048, 128], strides = [1, 1, 1]} : vector<2x2048x128xf32> to vector<1x2048x128xf32>
    %squeeze3A_19 = vector.shape_cast %slice3A_18 : vector<1x2048x128xf32> to vector<2048x128xf32>
    %reshape3A_20 = vector.shape_cast %squeeze3A_19 : vector<2048x128xf32> to vector<16x128x128xf32>
    %slice3A_21 = vector.extract_strided_slice %rsqrt3A {offsets = [1, 0, 0], sizes = [1, 16, 128], strides = [1, 1, 1]} : vector<2x16x128xf32> to vector<1x16x128xf32>
    %squeeze3A_22 = vector.shape_cast %slice3A_21 : vector<1x16x128xf32> to vector<16x128xf32>
    %broadcast_in_dim3A_23 = vector.shape_cast %squeeze3A_22 : vector<16x128xf32> to vector<16x128x1xf32>
    %mul3A_24 = vector.broadcast %broadcast_in_dim3A_23 : vector<16x128x1xf32> to vector<16x128x128xf32>
    %mul3A_25 = arith.mulf %reshape3A_20, %mul3A_24 : vector<16x128x128xf32>
    %reshape3A_26 = vector.shape_cast %mul3A_25 : vector<16x128x128xf32> to vector<2048x128xf32>
    %get3A_27 = arith.constant 0 : index
    %get3A_28 = arith.constant 0 : index
    %get3A_29 = vector.load %arg3[%get3A_27, %get3A_28] : memref<128x128xf32, #tpu.memory_space<vmem>>, vector<128x128xf32>
    %dot_general3A = arith.constant dense<0.000000e+00> : vector<2048x128xf32>
    %dot_general3A_30 = tpu.matmul %reshape3A_17, %get3A_29, %dot_general3A {dimension_numbers = #tpu.dot_dimension_numbers<[1], [0], [0], [1], [0, 0, 1, 1], [], []>, transpose_lhs_hint = false} : vector<2048x128xf32>, vector<128x128xf32>, vector<2048x128xf32> -> vector<2048x128xf32>
    %get3A_31 = arith.constant 0 : index
    %get3A_32 = arith.constant 0 : index
    %get3A_33 = vector.load %arg4[%get3A_31, %get3A_32] : memref<128x128xf32, #tpu.memory_space<vmem>>, vector<128x128xf32>
    %dot_general3A_34 = arith.constant dense<0.000000e+00> : vector<2048x128xf32>
    %dot_general3A_35 = tpu.matmul %reshape3A_26, %get3A_33, %dot_general3A_34 {dimension_numbers = #tpu.dot_dimension_numbers<[1], [0], [0], [1], [0, 0, 1, 1], [], []>, transpose_lhs_hint = false} : vector<2048x128xf32>, vector<128x128xf32>, vector<2048x128xf32> -> vector<2048x128xf32>
    %add3A = arith.addf %dot_general3A_30, %dot_general3A_35 : vector<2048x128xf32>
    %get3A_36 = arith.constant 0 : index
    %get3A_37 = arith.constant 0 : index
    %get3A_38 = vector.load %arg5[%get3A_36, %get3A_37] : memref<1x128xf32, #tpu.memory_space<vmem>>, vector<1x128xf32>
    %get3A_39 = arith.constant 0 : index
    %get3A_40 = arith.constant 0 : index
    %get3A_41 = vector.load %arg6[%get3A_39, %get3A_40] : memref<1x128xf32, #tpu.memory_space<vmem>>, vector<1x128xf32>
    %add3A_42 = arith.addf %get3A_38, %get3A_41 : vector<1x128xf32>
    %add3A_43 = vector.broadcast %add3A_42 : vector<1x128xf32> to vector<2048x128xf32>
    %add3A_44 = arith.addf %add3A, %add3A_43 : vector<2048x128xf32>
    %mul3A_45 = arith.constant 5.000000e-01 : f32
    %mul3A_46 = vector.broadcast %mul3A_45 : f32 to vector<2048x128xf32>
    %mul3A_47 = arith.mulf %mul3A_46, %add3A_44 : vector<2048x128xf32>
    %swap3A = arith.constant 0 : index
    %swap3A_48 = arith.constant 0 : index
    %swap3A_49 = vector.load %arg7[%swap3A, %swap3A_48] : memref<2048x128xf32, #tpu.memory_space<vmem>>, vector<2048x128xf32>
    tpu.vector_store %arg7[%swap3A, %swap3A_48], %mul3A_47 {strides = array<i32>} : memref<2048x128xf32, #tpu.memory_space<vmem>>, vector<2048x128xf32>,
    return
  }
  func.func @transform_0(%arg0: i32) -> (i32, i32, i32) {
    %c0_i32 = arith.constant 0 : i32
    %c0_i32_0 = arith.constant 0 : i32
    %c0_i32_1 = arith.constant 0 : i32
    return %c0_i32, %arg0, %c0_i32_0 : i32, i32, i32
  }
  func.func @transform_1(%arg0: i32) -> (i32, i32, i32, i32, i32) {
    %c0_i32 = arith.constant 0 : i32
    %c0_i32_0 = arith.constant 0 : i32
    %c0_i32_1 = arith.constant 0 : i32
    %c0_i32_2 = arith.constant 0 : i32
    %c0_i32_3 = arith.constant 0 : i32
    return %c0_i32, %c0_i32_0, %c0_i32_1, %arg0, %c0_i32_2 : i32, i32, i32, i32, i32
  }
  func.func @transform_2(%arg0: i32) -> (i32, i32) {
    %c0_i32 = arith.constant 0 : i32
    %c0_i32_0 = arith.constant 0 : i32
    %c0_i32_1 = arith.constant 0 : i32
    return %c0_i32, %c0_i32_0 : i32, i32
  }
  func.func @transform_3(%arg0: i32) -> (i32, i32) {
    %c0_i32 = arith.constant 0 : i32
    %c0_i32_0 = arith.constant 0 : i32
    %c0_i32_1 = arith.constant 0 : i32
    return %c0_i32, %c0_i32_0 : i32, i32
  }
  func.func @transform_4(%arg0: i32) -> (i32, i32) {
    %c0_i32 = arith.constant 0 : i32
    %c0_i32_0 = arith.constant 0 : i32
    %c0_i32_1 = arith.constant 0 : i32
    return %c0_i32, %c0_i32_0 : i32, i32
  }
  func.func @transform_5(%arg0: i32) -> (i32, i32) {
    %c0_i32 = arith.constant 0 : i32
    %c0_i32_0 = arith.constant 0 : i32
    %c0_i32_1 = arith.constant 0 : i32
    return %c0_i32, %c0_i32_0 : i32, i32
  }
  func.func @transform_6(%arg0: i32) -> (i32, i32) {
    %c0_i32 = arith.constant 0 : i32
    %c0_i32_0 = arith.constant 0 : i32
    return %arg0, %c0_i32 : i32, i32
  }
}

</mosaic_0001>

<sc_bundles>
// kernel: kernel.6.cloned.1.call-start
scs
__scs_entry_jumppad:
0x0: {  	(pc) =	sbr.rel $0x88, $3  }
0x1: {  	(tag) =	ssettag $0x0;
	lr =	simm.s32 $0x1  }
0x2: {  	[smem:$0x3F9A] =	sst lr;
	_ =	strace $0xD0000000  }
0x3: {  	_ = 	snop  }
0x4: {  	_ = 	snop  }
0x5: {  	_ = 	snop  }
0x6: {  	_ = 	snop  }
0x7: {  	_ = 	snop  }
__scs_overlays_trampoline_lowered:
0x8: {  	[smem:$0x3FA9] =	sst s0  }
0x9: {  	[smem:$0x3FAA] =	sst s1  }
0xa: {  	[smem:$0x3FAB] =	sst s2  }
0xb: {  	[smem:$0x3FAC] =	sst s3  }
0xc: {  	[smem:$0x3FAD] =	sst s4  }
0xd: {  	[smem:$0x3FAE] =	sst s5  }
0xe: {  	[smem:$0x3FAF] =	sst s6  }
0xf: {  	[smem:$0x3FB0] =	sst s7  }
0x10: {  	[smem:$0x3FB1] =	sst s8  }
0x11: {  	[smem:$0x3FB2] =	sst s9;
	s0 =	simm.s32 @!p0 $0x0  }
0x12: {  	s1 =	sld [smem:$0x3F98];
	s0 =	simm.s32 @p0 $0x1  }
0x13: {  	[smem:$0x3FB3] =	sst s0;
	s0 =	simm.s32 @!p1 $0x0  }
0x14: {  	s2 =	sld [smem:$0x3F97];
	s0 =	simm.s32 @p1 $0x1  }
0x15: {  	[smem:$0x3FB4] =	sst s0;
	s0 =	simm.s32 @!p2 $0x0  }
0x16: {  	s3 =	sld [smem:$0x3FDB];
	s0 =	simm.s32 @p2 $0x1  }
0x17: {  	s4 =	simm.s32 $0x1BF5;
	[smem:$0x3FB6] =	sst s0  }
0x18: {  	s0 =	sld [smem:$0x3F99];
	_ =	swait.ge [sflag:s4], $0x0  }
0x19: {  	s7 =	sld [smem:$0x3F9A]  }
0x1a: {  	s8 =	sadd.s32 $0xFFFFE003, lr  }
0x1b: {  	s9 =	sadd.s32 $0xFFFFFEF7, lr;
	s5 =	simm.s32 $0xFFFFFFFF;
	p2 =	slt.u32 s8, $0xFFFFF086  }
0x1c: {  	p1 =	slt.u32 s9, $0xF7A;
	s5 =	simm.s32 @!p2 $0x0  }
0x1d: {  	s5 =	simm.s32 @p1 $0x1;
	p0 =	seq.s32 s7, s2  }
0x1e: {  	s7 =	smul.u32 @!p0 $0xF7A, s2;
	p2 =	seq.s32 @!p0 s5, $0x0  }
0x1f: {  	s9 =	smul.u32 $0xF7A, s1;
	s8 =	simm.s32 @!p0 $0x1BF5;
	p2 =	por !p2, p0  }
0x20: {  	[sflag:s8] =	ssyncset.s32 @!p0 $0xFFFFF086;
	s6 =	sadd.s32 @!p0 s3, s7;
	s7 =	simm.s32 @!p0 $0x108  }
0x21: {  	s3 =	sadd.s32 s3, s9;
	s6 =	sadd.s32 @!p0 $0x88, s6;
	s7 =	simm.s32 @p2 $0x1082  }
0x22: {  	[simem:s7], [sflag:s8] =	dma.local @!p0 [hbm:s6], $0xF7A  }
0x23: {  	s9 =	sor.u32 $0xD0000000, s2;
	s6 =	simm.s32 $0x108;
	_ =	swait.ge @!p0 [sflag:s8], $0x0  }
0x24: {  	s3 =	sadd.s32 $0x88, s3;
	s6 =	simm.s32 @!p1 $0x1082;
	[sflag:s4] =	ssyncset.s32 $0xFFFFF086  }
0x25: {  	[simem:s6], [sflag:s4] =	dma.local [hbm:s3], $0xF7A  }
0x26: {  	[smem:$0x3F9A] =	sst s1;
	(tag) =	ssettag s2;
	_ =	strace s9  }
0x27: {  	s1 =	sld [smem:$0x3FAA]  }
0x28: {  	s2 =	sld [smem:$0x3FAB]  }
0x29: {  	s4 =	sld [smem:$0x3FAD]  }
0x2a: {  	p0 =	seq.s32 s5, $0x0;
	s5 =	sld [smem:$0x3FAE]  }
0x2b: {  	s6 =	sld [smem:$0x3FAF]  }
0x2c: {  	s7 =	sld [smem:$0x3FB0]  }
0x2d: {  	s3 =	simm.s32 $0x108;
	s8 =	sld [smem:$0x3FB1]  }
0x2e: {  	s3 =	simm.s32 @!p0 $0x1082;
	s9 =	sld [smem:$0x3FB2]  }
0x2f: {  	lr =	sadd.s32 s0, s3;
	s0 =	sld [smem:$0x3FA9]  }
0x30: {  	s3 =	sld [smem:$0x3FAC]  }
0x31: {  	[smem:$0x3FB5] =	sst s10  }
0x32: {  	s10 =	sld [smem:$0x3FB3];
	_ =	sdelay $0x3  }
0x33: {  	p0 =	seq.s32 s10, $0x1;
	s10 =	sld [smem:$0x3FB5];
	_ =	sdelay $0x3  }
0x34: {  	[smem:$0x3FB5] =	sst s10  }
0x35: {  	s10 =	sld [smem:$0x3FB4];
	_ =	sdelay $0x3  }
0x36: {  	p1 =	seq.s32 s10, $0x1;
	s10 =	sld [smem:$0x3FB5];
	_ =	sdelay $0x3  }
0x37: {  	[smem:$0x3FB5] =	sst s10  }
0x38: {  	s10 =	sld [smem:$0x3FB6]  }
0x39: {  	_ = 	snop;
	(pc) =	sbr.ind lr, $3  }
0x3a: {  	_ = 	snop  }
0x3b: {  	_ = 	snop  }
0x3c: {  	p2 =	seq.s32 s10, $0x1;
	s10 =	sld [smem:$0x3FB5]  }
0x3d: {  	_ =	shalt  }
0x3e: {  	_ =	shalt  }
0x3f: {  	_ =	shalt  }
0x40: {  	_ =	shalt  }
0x41: {  	_ =	shalt  }
0x42: {  	_ =	shalt  }
0x43: {  	_ =	shalt  }
0x44: {  	_ =	shalt  }
0x45: {  	_ =	shalt  }
0x46: {  	_ =	shalt  }
0x47: {  	_ =	shalt  }
0x48: {  	_ =	shalt  }
0x49: {  	_ =	shalt  }
0x4a: {  	_ =	shalt  }
0x4b: {  	_ =	shalt  }
0x4c: {  	_ =	shalt  }
0x4d: {  	_ =	shalt  }
0x4e: {  	_ =	shalt  }
0x4f: {  	_ =	shalt  }
0x50: {  	_ =	shalt  }
0x51: {  	_ =	shalt  }
0x52: {  	_ =	shalt  }
0x53: {  	_ =	shalt  }
0x54: {  	_ =	shalt  }
0x55: {  	_ =	shalt  }
0x56: {  	_ =	shalt  }
0x57: {  	_ =	shalt  }
0x58: {  	_ =	shalt  }
0x59: {  	_ =	shalt  }
0x5a: {  	_ =	shalt  }
0x5b: {  	_ =	shalt  }
0x5c: {  	_ =	shalt  }
0x5d: {  	_ =	shalt  }
0x5e: {  	_ =	shalt  }
0x5f: {  	_ =	shalt  }
0x60: {  	_ =	shalt  }
0x61: {  	_ =	shalt  }
0x62: {  	_ =	shalt  }
0x63: {  	_ =	shalt  }
0x64: {  	_ =	shalt  }
0x65: {  	_ =	shalt  }
0x66: {  	_ =	shalt  }
0x67: {  	_ =	shalt  }
0x68: {  	_ =	shalt  }
0x69: {  	_ =	shalt  }
0x6a: {  	_ =	shalt  }
0x6b: {  	_ =	shalt  }
0x6c: {  	_ =	shalt  }
0x6d: {  	_ =	shalt  }
0x6e: {  	_ =	shalt  }
0x6f: {  	_ =	shalt  }
0x70: {  	_ =	shalt  }
0x71: {  	_ =	shalt  }
0x72: {  	_ =	shalt  }
0x73: {  	_ =	shalt  }
0x74: {  	_ =	shalt  }
0x75: {  	_ =	shalt  }
0x76: {  	_ =	shalt  }
0x77: {  	_ =	shalt  }
0x78: {  	_ =	shalt  }
0x79: {  	_ =	shalt  }
0x7a: {  	_ =	shalt  }
0x7b: {  	_ =	shalt  }
0x7c: {  	_ =	shalt  }
0x7d: {  	_ =	shalt  }
0x7e: {  	_ =	shalt  }
0x7f: {  	_ =	shalt  }
0x80: {  	_ =	shalt  }
0x81: {  	_ =	shalt  }
0x82: {  	_ =	shalt  }
0x83: {  	_ =	shalt  }
0x84: {  	_ =	shalt  }
0x85: {  	_ =	shalt  }
0x86: {  	_ =	shalt  }
0x87: {  	_ =	shalt  }
.Lfunc_end0:
.L_simem_size_0:
called_computation_lowered:
.L_overlay_start_0:
0x88: {  	s2 =	sld [smem:$0x3FD9]  }
0x89: {  	s3 =	sld [smem:$0x3FFE];
	_ =	sdelay $0x1  }
0x8a: {  	s1 =	srdreg.scid  }
0x8b: {  	s0 =	sand.u32 $0x1, s1  }
0x8c: {  	s17 =	sshll.u32 s0, $0xA;
	s2 =	sadd.s32 s3, s2  }
0x8d: {  	s2 =	sadd.s32 s2, s17  }
0x8e: {  	[smem:$0x3FC1] =	sst s2  }
0x8f: {  	_ = 	snop  }
0x90: {  	s2 =	sld [smem:$0x3FD0];
	(tm) =	ssettm $0x1  }
0x91: {  	s18 =	sld [smem:$0x3FFB];
	_ =	sdelay $0x3  }
0x92: {  	_ =	strace s18  }
0x93: {  	s3 =	sld [smem:$0x3FFC];
	_ =	sdelay $0x3  }
0x94: {  	_ =	strace s3  }
0x95: {  	s3 =	sld [smem:$0x3FFD];
	_ =	sdelay $0x3  }
0x96: {  	_ =	strace s3  }
0x97: {  	_ =	strace $0x8FFFFFFF  }
0x98: {  	s19 =	sld [smem:$0x3FDB];
	_ =	sdelay $0x1  }
0x99: {  	s4 =	simm.s32 $_scs_section_size  }
0x9a: {  	s5 =	simm.s32 $_size__tile_overlayer_lowered;
	s6 =	simm.s32 $_tile_overlayer_lowered  }
0x9b: {  	s22 =	simm.s32 $0x1BFF;
	s21 =	sshll.u32 s6, $0x1;
	s3 =	sadd.s32 s4, s19  }
0x9c: {  	s7 =	simm.s32 $0x0;
	s20 =	sshll.u32 s5, $0x1;
	s5 =	sadd.s32 s21, s3  }
0x9d: {  	[timem:s7], [sflag:s22] =	dma.local [hbm:s5], s20  }
0x9e: {  	_ =	swait.ge [sflag:s22], s20  }
0x9f: {  	s4 =	ssub.s32 $0x0, s20;
	[sflag:s22] =	ssyncset.done $0x0  }
0xa0: {  	[sflag:s22] =	ssyncadd.s32 s4;
	_ =	sdelay $0x1  }
0xa1: {  	s23 =	simm.s32 $0x1B8B  }
0xa2: {  	_ =	swait.ge [sflag:s23], $0x1  }
0xa3: {  	[sflag:s23] =	ssyncset.done $0x0  }
0xa4: {  	s25 =	simm.s32 $0x1B8E;
	s24 =	sld [smem:$0x3FFE];
	[sflag:s23] =	ssyncadd.s32 $0xFFFFFFFF  }
0xa5: {  	s26 =	simm.s32 $execute0_lowered;
	[smem:$0x3FD2] =	sst s25  }
0xa6: {  	s5 =	sshll.u32 s26, $0x1;
	_ =	strace $0x80000046;
	[dreg:$0x1] =	wrdreg $0xFFFFFFFF  }
0xa7: {  	s28 =	simm.s32 $_size_execute0_lowered;
	s3 =	sadd.s32 s3, s5;
	[dreg:$0x0] =	wrdreg $0x0  }
0xa8: {  	s5 =	sshll.u32 s28, $0x1;
	[dreg:$0x2] =	wrdreg s3  }
0xa9: {  	[dreg:$0x3] =	wrdreg s5  }
0xaa: {  	[dreg:$0x4] =	wrdreg $0xC0  }
0xab: {  	_ =	task [dreg:s7], $0x5FFFF  }
0xac: {  	[dreg:$0x1] =	wrdreg $0xFFFFFFFF  }
0xad: {  	[dreg:$0x0] =	wrdreg $0x60  }
0xae: {  	[dreg:$0x2] =	wrdreg s24  }
0xaf: {  	[dreg:$0x3] =	wrdreg s2  }
0xb0: {  	[dreg:$0x4] =	wrdreg $0x9  }
0xb1: {  	_ =	task.clear_ibuf [dreg:s7], $0x5FFFF;
	_ =	strace $0x90000046  }
0xb2: {  	s29 =	simm.s32 $0x9;
	_ =	strace $0x80000048  }
0xb3: {  	_ =	swait.ge [sflag:s29], $0x1  }
0xb4: {  	[sflag:s29] =	ssyncadd.s32 $0xFFFFFFFF  }
0xb5: {  	_ =	strace $0x90000048  }
0xb6: {  	_ =	sfence  }
0xb7: {  	s30 =	sld [smem:$0x0];
	_ =	sdelay $0x2  }
0xb8: {  	s31 =	sshll.u32 s1, $0xD;
	s1 =	sshrl.u32 s1, $0x2  }
0xb9: {  	s3 =	sand.u32 $0x4000, s31;
	s1 =	sadd.s32 s1, s30  }
0xba: {  	s0 =	sor.u32 s3, s0;
	s1 =	sshll.u32 s1, $0x11  }
0xbb: {  	s0 =	sor.u32 s1, s0  }
0xbc: {  	s0 =	sadd.s32 $0x8F2B, s0  }
0xbd: {  	[sflag:s0] =	ssyncadd.remote.s32 $0x1  }
0xbe: {  	_ =	sfence.sel $0xFFFF  }
0xbf: {  	[dreg:$0x0] =	wrdreg $0xFFFFFFFF;
	(pc) =	sbr.abs _section_cstart, $3  }
0xc0: {  	[dreg:$0x1] =	wrdreg $0xFFFFFFFF  }
0xc1: {  	_ =	task.clear_ibuf [dreg:s7], $0x2FFFF;
	_ =	strace $0x9FFFFFFF  }
0xc2: {  	(tm) =	ssettm $0x7FFFFFFF  }
0xc3: {  	_ =	shalt  }
tec
execute0_lowered:
.L_overlay_start_1:
0x0: {  	(tag) =	ssettag $0x1  }
0x1: {  	s3 =	rddreg [dreg:$0x0]  }
0x2: {  	s4 =	rddreg [dreg:$0x1];
	s1 =	srdreg.scid  }
0x3: {  	s0 =	rddreg [dreg:$0x2];
	s2 =	simm.s32 $0x0;
	s9 =	simm.s32 $0x1  }
0x4: {  	s10 =	simm.s32 $0x4000;
	s11 =	simm.s32 $0x8000;
	s12 =	simm.s32 $0xA800  }
0x5: {  	s13 =	simm.s32 $0x0;
	s5 =	sand.u32 $0x1, s1;
	[smem:$0x7FF] =	sst s2  }
0x6: {  	s1 =	stileid.u32;
	s6 =	sshll.u32 s5, $0x5;
	s7 =	sshll.u32 s5, $0xF  }
0x7: {  	s8 =	sshll.u32 s1, $0xB;
	s5 =	ssub.s32 $0x2, s5;
	s6 =	sor.u32 s1, s6  }
0x8: {  	_ =	strace $0x80000047;
	s7 =	sor.u32 s8, s7;
	s6 =	smul.u32 $0x500, s6  }
0x9: {  	s31 =	sshrl.u32 s5, $0x1;
	s7 =	sadd.s32 s7, s3;
	s3 =	sadd.s32 $0x20A00, s3  }
0xa: {  	s8 =	ssub.s32 s5, s31;
	s5 =	sadd.s32 $0x10A00, s7;
	s4 =	sadd.s32 s4, s6  }
0xb: {  	v0 =	vimm.f32 $1.000000000e+00;
	s8 =	smax.u32 s8, $0x1;
	s6 =	sadd.s32 $0xA00, s7;
	s7 =	sadd.s32 $0x5000, s4  }
.LBB2_1:
0xc: {  	[tilespmem:s2], [sflag:$0x1] =	stream.linear.gather [hbm4b:s5+s2], $0x3E80, $0x38;
	[tilespmem:$0xD000] =	vst v63  }
0xd: {  	_ =	swait.ge [sflag:s9], $0x3E80  }
0xe: {  	[sflag:s9] =	ssyncset.done $0x0  }
0xf: {  	[sflag:s9] =	ssyncadd.s32 $0xFFFFC180  }
0x10: {  	[tilespmem:s10], [sflag:$0x1] =	stream.linear.gather [hbm4b:s6+s2], $0x3E80, $0x38;
	[tilespmem:$0xD000] =	vst v63  }
0x11: {  	_ =	swait.ge [sflag:s9], $0x3E80  }
0x12: {  	[sflag:s9] =	ssyncset.done $0x0  }
0x13: {  	[sflag:s9] =	ssyncadd.s32 $0xFFFFC180  }
0x14: {  	[tilespmem:s11], [sflag:$0x1] =	stream.linear.gather [hbm4b:s3+s2], $0x2800, $0x38;
	[tilespmem:$0xD000] =	vst v63  }
0x15: {  	_ =	swait.ge [sflag:s9], $0x2800  }
0x16: {  	[sflag:s9] =	ssyncset.done $0x0  }
0x17: {  	[sflag:s9] =	ssyncadd.s32 $0xFFFFD800  }
0x18: {  	[tilespmem:s12], [sflag:$0x1] =	stream.linear.gather [hbm4b:s3+s2], $0x2800, $0x38;
	[tilespmem:$0xD000] =	vst v63  }
0x19: {  	_ =	swait.ge [sflag:s9], $0x2800  }
0x1a: {  	[sflag:s9] =	ssyncset.done $0x0  }
0x1b: {  	s14 =	simm.s32 $0x0;
	[sflag:s9] =	ssyncadd.s32 $0xFFFFD800  }
.LBB2_2:
0x1c: {  	s15 =	sshra.s32 s14, $0x2  }
0x1d: {  	v1 =	vld [tilespmem:s15+$0x0];
	_ =	sdelay $0x7  }
0x1e: {  	[tilespmem:v1+s11+$0x0] =	vst.idx.add.f32.msk $0xffff, v0  }
0x1f: {  	v1 =	vld [tilespmem:s15+$0x4000];
	_ =	sdelay $0x7  }
0x20: {  	[tilespmem:v1+s12+$0x0] =	vst.idx.add.f32.msk $0xffff, v0  }
0x21: {  	v1 =	vld [tilespmem:s15+$0x10];
	_ =	sdelay $0x7  }
0x22: {  	[tilespmem:v1+s11+$0x0] =	vst.idx.add.f32.msk $0xffff, v0  }
0x23: {  	v1 =	vld [tilespmem:s15+$0x4010];
	_ =	sdelay $0x7  }
0x24: {  	[tilespmem:v1+s12+$0x0] =	vst.idx.add.f32.msk $0xffff, v0  }
0x25: {  	v1 =	vld [tilespmem:s15+$0x20];
	_ =	sdelay $0x7  }
0x26: {  	[tilespmem:v1+s11+$0x0] =	vst.idx.add.f32.msk $0xffff, v0  }
0x27: {  	v1 =	vld [tilespmem:s15+$0x4020];
	_ =	sdelay $0x7  }
0x28: {  	[tilespmem:v1+s12+$0x0] =	vst.idx.add.f32.msk $0xffff, v0  }
0x29: {  	v1 =	vld [tilespmem:s15+$0x30];
	_ =	sdelay $0x7  }
0x2a: {  	[tilespmem:v1+s11+$0x0] =	vst.idx.add.f32.msk $0xffff, v0  }
0x2b: {  	v1 =	vld [tilespmem:s15+$0x4030];
	_ =	sdelay $0x7  }
0x2c: {  	[tilespmem:v1+s12+$0x0] =	vst.idx.add.f32.msk $0xffff, v0  }
0x2d: {  	v1 =	vld [tilespmem:s15+$0x40];
	_ =	sdelay $0x7  }
0x2e: {  	[tilespmem:v1+s11+$0x0] =	vst.idx.add.f32.msk $0xffff, v0  }
0x2f: {  	v1 =	vld [tilespmem:s15+$0x4040];
	_ =	sdelay $0x2  }
0x30: {  	p0 =	sne.s32 s14, $0xF800  }
.Ltmp0:
0x31: {  	_ = 	snop;
	(pc) =	sbr.rel @p0 .LBB2_2-.Ltmp0, $2  }
0x32: {  	_ =	sdelay $0x2  }
0x33: {  	s14 =	sadd.s32 $0x200, s14;
	[tilespmem:v1+s12+$0x0] =	vst.idx.add.f32.msk $0xffff, v0  }
0x34: {  	[hbm4b:s4+s2] =	stream.linear.scatter [tilespmem:s11], [sflag:$0x1], $0x2800, $0x38;
	[tilespmem:$0xD000] =	vst v63  }
0x35: {  	s13 =	sadd.s32 $0x1, s13;
	_ =	swait.ge [sflag:s9], $0x2800  }
0x36: {  	p0 =	sne.s32 s13, s8;
	[sflag:s9] =	ssyncset.done $0x0  }
.Ltmp1:
0x37: {  	[sflag:s9] =	ssyncadd.s32 $0xFFFFD800;
	(pc) =	sbr.rel @p0 .LBB2_1-.Ltmp1, $4  }
0x38: {  	[hbm4b:s7+s2] =	stream.linear.scatter [tilespmem:s12], [sflag:$0x1], $0x2800, $0x38;
	[tilespmem:$0xD000] =	vst v63  }
0x39: {  	_ =	swait.ge [sflag:s9], $0x2800  }
0x3a: {  	[sflag:s9] =	ssyncset.done $0x0  }
0x3b: {  	[sflag:s9] =	ssyncadd.s32 $0xFFFFD800  }
0x3c: {  	_ =	sfence.sel $0x180000  }
0x3d: {  	[bflag:$0x0] =	sbarrier.arrive $0xFFFF  }
0x3e: {  	p0 =	sne.s32 s1, $0x0;
	_ =	strace $0x90000047  }
0x3f: {  	s0 =	sadd.s32 @!p0 $0x100000, s0;
	[bflag:$0x2] =	sbarrier.arrive $0xFFFF  }
0x40: {  	[sflag:s0] =	ssyncadd.tile.s32 @!p0 $0x1;
	_ =	shalt  }
.Lfunc_end2:
_tile_overlayer_lowered:
.L_overlay_start_2:
0x41: {  	(tag) =	ssettag $0x2  }
0x42: {  	s0 =	rddreg [dreg:$0x0];
	s2 =	stileid.u32  }
0x43: {  	s1 =	rddreg [dreg:$0x1];
	p0 =	sne.s32 s2, $0x0  }
0x44: {  	s3 =	rddreg [dreg:$0x2];
	[bflag:$0x3] =	sbarrier.arrive $0xFFFF;
	s2 =	simm.s32 @!p0 $0x1C01  }
0x45: {  	[timem:s3], [sflag:s2] =	dma.local @!p0 [hbm:s0], s1  }
0x46: {  	s0 =	simm.s32 @!p0 $0x1  }
0x47: {  	_ =	swait.ge @!p0 [sflag:s0], s1  }
0x48: {  	s1 =	ssub.s32 @!p0 $0x0, s1;
	[sflag:s0] =	ssyncset.done @!p0 $0x0  }
0x49: {  	[sflag:s0] =	ssyncadd.s32 @!p0 s1  }
0x4a: {  	[bflag:$0x3] =	sbarrier.arrive $0xFFFF  }
0x4b: {  	_ =	shalt  }

// kernel: kernel.9.cloned.1.call-start
scs
__scs_entry_jumppad:
0x0: {  	(pc) =	sbr.rel $0x88, $3  }
0x1: {  	(tag) =	ssettag $0x0;
	lr =	simm.s32 $0x1  }
0x2: {  	[smem:$0x3F9A] =	sst lr;
	_ =	strace $0xD0000000  }
0x3: {  	_ = 	snop  }
0x4: {  	_ = 	snop  }
0x5: {  	_ = 	snop  }
0x6: {  	_ = 	snop  }
0x7: {  	_ = 	snop  }
__scs_overlays_trampoline_lowered:
0x8: {  	[smem:$0x3FA9] =	sst s0  }
0x9: {  	[smem:$0x3FAA] =	sst s1  }
0xa: {  	[smem:$0x3FAB] =	sst s2  }
0xb: {  	[smem:$0x3FAC] =	sst s3  }
0xc: {  	[smem:$0x3FAD] =	sst s4  }
0xd: {  	[smem:$0x3FAE] =	sst s5  }
0xe: {  	[smem:$0x3FAF] =	sst s6  }
0xf: {  	[smem:$0x3FB0] =	sst s7  }
0x10: {  	[smem:$0x3FB1] =	sst s8  }
0x11: {  	[smem:$0x3FB2] =	sst s9;
	s0 =	simm.s32 @!p0 $0x0  }
0x12: {  	s1 =	sld [smem:$0x3F98];
	s0 =	simm.s32 @p0 $0x1  }
0x13: {  	[smem:$0x3FB3] =	sst s0;
	s0 =	simm.s32 @!p1 $0x0  }
0x14: {  	s2 =	sld [smem:$0x3F97];
	s0 =	simm.s32 @p1 $0x1  }
0x15: {  	[smem:$0x3FB4] =	sst s0;
	s0 =	simm.s32 @!p2 $0x0  }
0x16: {  	s3 =	sld [smem:$0x3FDB];
	s0 =	simm.s32 @p2 $0x1  }
0x17: {  	s4 =	simm.s32 $0x1BF5;
	[smem:$0x3FB6] =	sst s0  }
0x18: {  	s0 =	sld [smem:$0x3F99];
	_ =	swait.ge [sflag:s4], $0x0  }
0x19: {  	s7 =	sld [smem:$0x3F9A]  }
0x1a: {  	s8 =	sadd.s32 $0xFFFFE003, lr  }
0x1b: {  	s9 =	sadd.s32 $0xFFFFFEF7, lr;
	s5 =	simm.s32 $0xFFFFFFFF;
	p2 =	slt.u32 s8, $0xFFFFF086  }
0x1c: {  	p1 =	slt.u32 s9, $0xF7A;
	s5 =	simm.s32 @!p2 $0x0  }
0x1d: {  	s5 =	simm.s32 @p1 $0x1;
	p0 =	seq.s32 s7, s2  }
0x1e: {  	s7 =	smul.u32 @!p0 $0xF7A, s2;
	p2 =	seq.s32 @!p0 s5, $0x0  }
0x1f: {  	s9 =	smul.u32 $0xF7A, s1;
	s8 =	simm.s32 @!p0 $0x1BF5;
	p2 =	por !p2, p0  }
0x20: {  	[sflag:s8] =	ssyncset.s32 @!p0 $0xFFFFF086;
	s6 =	sadd.s32 @!p0 s3, s7;
	s7 =	simm.s32 @!p0 $0x108  }
0x21: {  	s3 =	sadd.s32 s3, s9;
	s6 =	sadd.s32 @!p0 $0x88, s6;
	s7 =	simm.s32 @p2 $0x1082  }
0x22: {  	[simem:s7], [sflag:s8] =	dma.local @!p0 [hbm:s6], $0xF7A  }
0x23: {  	s9 =	sor.u32 $0xD0000000, s2;
	s6 =	simm.s32 $0x108;
	_ =	swait.ge @!p0 [sflag:s8], $0x0  }
0x24: {  	s3 =	sadd.s32 $0x88, s3;
	s6 =	simm.s32 @!p1 $0x1082;
	[sflag:s4] =	ssyncset.s32 $0xFFFFF086  }
0x25: {  	[simem:s6], [sflag:s4] =	dma.local [hbm:s3], $0xF7A  }
0x26: {  	[smem:$0x3F9A] =	sst s1;
	(tag) =	ssettag s2;
	_ =	strace s9  }
0x27: {  	s1 =	sld [smem:$0x3FAA]  }
0x28: {  	s2 =	sld [smem:$0x3FAB]  }
0x29: {  	s4 =	sld [smem:$0x3FAD]  }
0x2a: {  	p0 =	seq.s32 s5, $0x0;
	s5 =	sld [smem:$0x3FAE]  }
0x2b: {  	s6 =	sld [smem:$0x3FAF]  }
0x2c: {  	s7 =	sld [smem:$0x3FB0]  }
0x2d: {  	s3 =	simm.s32 $0x108;
	s8 =	sld [smem:$0x3FB1]  }
0x2e: {  	s3 =	simm.s32 @!p0 $0x1082;
	s9 =	sld [smem:$0x3FB2]  }
0x2f: {  	lr =	sadd.s32 s0, s3;
	s0 =	sld [smem:$0x3FA9]  }
0x30: {  	s3 =	sld [smem:$0x3FAC]  }
0x31: {  	[smem:$0x3FB5] =	sst s10  }
0x32: {  	s10 =	sld [smem:$0x3FB3];
	_ =	sdelay $0x3  }
0x33: {  	p0 =	seq.s32 s10, $0x1;
	s10 =	sld [smem:$0x3FB5];
	_ =	sdelay $0x3  }
0x34: {  	[smem:$0x3FB5] =	sst s10  }
0x35: {  	s10 =	sld [smem:$0x3FB4];
	_ =	sdelay $0x3  }
0x36: {  	p1 =	seq.s32 s10, $0x1;
	s10 =	sld [smem:$0x3FB5];
	_ =	sdelay $0x3  }
0x37: {  	[smem:$0x3FB5] =	sst s10  }
0x38: {  	s10 =	sld [smem:$0x3FB6]  }
0x39: {  	_ = 	snop;
	(pc) =	sbr.ind lr, $3  }
0x3a: {  	_ = 	snop  }
0x3b: {  	_ = 	snop  }
0x3c: {  	p2 =	seq.s32 s10, $0x1;
	s10 =	sld [smem:$0x3FB5]  }
0x3d: {  	_ =	shalt  }
0x3e: {  	_ =	shalt  }
0x3f: {  	_ =	shalt  }
0x40: {  	_ =	shalt  }
0x41: {  	_ =	shalt  }
0x42: {  	_ =	shalt  }
0x43: {  	_ =	shalt  }
0x44: {  	_ =	shalt  }
0x45: {  	_ =	shalt  }
0x46: {  	_ =	shalt  }
0x47: {  	_ =	shalt  }
0x48: {  	_ =	shalt  }
0x49: {  	_ =	shalt  }
0x4a: {  	_ =	shalt  }
0x4b: {  	_ =	shalt  }
0x4c: {  	_ =	shalt  }
0x4d: {  	_ =	shalt  }
0x4e: {  	_ =	shalt  }
0x4f: {  	_ =	shalt  }
0x50: {  	_ =	shalt  }
0x51: {  	_ =	shalt  }
0x52: {  	_ =	shalt  }
0x53: {  	_ =	shalt  }
0x54: {  	_ =	shalt  }
0x55: {  	_ =	shalt  }
0x56: {  	_ =	shalt  }
0x57: {  	_ =	shalt  }
0x58: {  	_ =	shalt  }
0x59: {  	_ =	shalt  }
0x5a: {  	_ =	shalt  }
0x5b: {  	_ =	shalt  }
0x5c: {  	_ =	shalt  }
0x5d: {  	_ =	shalt  }
0x5e: {  	_ =	shalt  }
0x5f: {  	_ =	shalt  }
0x60: {  	_ =	shalt  }
0x61: {  	_ =	shalt  }
0x62: {  	_ =	shalt  }
0x63: {  	_ =	shalt  }
0x64: {  	_ =	shalt  }
0x65: {  	_ =	shalt  }
0x66: {  	_ =	shalt  }
0x67: {  	_ =	shalt  }
0x68: {  	_ =	shalt  }
0x69: {  	_ =	shalt  }
0x6a: {  	_ =	shalt  }
0x6b: {  	_ =	shalt  }
0x6c: {  	_ =	shalt  }
0x6d: {  	_ =	shalt  }
0x6e: {  	_ =	shalt  }
0x6f: {  	_ =	shalt  }
0x70: {  	_ =	shalt  }
0x71: {  	_ =	shalt  }
0x72: {  	_ =	shalt  }
0x73: {  	_ =	shalt  }
0x74: {  	_ =	shalt  }
0x75: {  	_ =	shalt  }
0x76: {  	_ =	shalt  }
0x77: {  	_ =	shalt  }
0x78: {  	_ =	shalt  }
0x79: {  	_ =	shalt  }
0x7a: {  	_ =	shalt  }
0x7b: {  	_ =	shalt  }
0x7c: {  	_ =	shalt  }
0x7d: {  	_ =	shalt  }
0x7e: {  	_ =	shalt  }
0x7f: {  	_ =	shalt  }
0x80: {  	_ =	shalt  }
0x81: {  	_ =	shalt  }
0x82: {  	_ =	shalt  }
0x83: {  	_ =	shalt  }
0x84: {  	_ =	shalt  }
0x85: {  	_ =	shalt  }
0x86: {  	_ =	shalt  }
0x87: {  	_ =	shalt  }
.Lfunc_end0:
.L_simem_size_0:
called_computation.1_lowered:
.L_overlay_start_0:
0x88: {  	s2 =	sld [smem:$0x3FD9]  }
0x89: {  	s3 =	sld [smem:$0x3FFE];
	_ =	sdelay $0x1  }
0x8a: {  	s1 =	srdreg.scid  }
0x8b: {  	s0 =	sand.u32 $0x1, s1  }
0x8c: {  	s17 =	sshll.u32 s0, $0xA;
	s2 =	sadd.s32 s3, s2  }
0x8d: {  	s2 =	sadd.s32 s2, s17  }
0x8e: {  	[smem:$0x3FC1] =	sst s2  }
0x8f: {  	_ = 	snop  }
0x90: {  	s2 =	sld [smem:$0x3FD0];
	(tm) =	ssettm $0x1  }
0x91: {  	s18 =	sld [smem:$0x3FFB];
	_ =	sdelay $0x3  }
0x92: {  	_ =	strace s18  }
0x93: {  	s3 =	sld [smem:$0x3FFC];
	_ =	sdelay $0x3  }
0x94: {  	_ =	strace s3  }
0x95: {  	s3 =	sld [smem:$0x3FFD];
	_ =	sdelay $0x3  }
0x96: {  	_ =	strace s3  }
0x97: {  	_ =	strace $0x8FFFFFFF  }
0x98: {  	s19 =	sld [smem:$0x3FDB];
	_ =	sdelay $0x1  }
0x99: {  	s4 =	simm.s32 $_scs_section_size  }
0x9a: {  	s5 =	simm.s32 $_size__tile_overlayer_lowered;
	s6 =	simm.s32 $_tile_overlayer_lowered  }
0x9b: {  	s22 =	simm.s32 $0x1BFF;
	s21 =	sshll.u32 s6, $0x1;
	s3 =	sadd.s32 s4, s19  }
0x9c: {  	s7 =	simm.s32 $0x0;
	s20 =	sshll.u32 s5, $0x1;
	s5 =	sadd.s32 s21, s3  }
0x9d: {  	[timem:s7], [sflag:s22] =	dma.local [hbm:s5], s20  }
0x9e: {  	_ =	swait.ge [sflag:s22], s20  }
0x9f: {  	s4 =	ssub.s32 $0x0, s20;
	[sflag:s22] =	ssyncset.done $0x0  }
0xa0: {  	[sflag:s22] =	ssyncadd.s32 s4;
	_ =	sdelay $0x1  }
0xa1: {  	s23 =	simm.s32 $0x1B8B  }
0xa2: {  	_ =	swait.ge [sflag:s23], $0x1  }
0xa3: {  	[sflag:s23] =	ssyncset.done $0x0  }
0xa4: {  	s25 =	simm.s32 $0x1B8E;
	s24 =	sld [smem:$0x3FFE];
	[sflag:s23] =	ssyncadd.s32 $0xFFFFFFFF  }
0xa5: {  	s26 =	simm.s32 $execute0_lowered;
	[smem:$0x3FD2] =	sst s25  }
0xa6: {  	s5 =	sshll.u32 s26, $0x1;
	_ =	strace $0x80000049;
	[dreg:$0x1] =	wrdreg $0xFFFFFFFF  }
0xa7: {  	s28 =	simm.s32 $_size_execute0_lowered;
	s3 =	sadd.s32 s3, s5;
	[dreg:$0x0] =	wrdreg $0x0  }
0xa8: {  	s5 =	sshll.u32 s28, $0x1;
	[dreg:$0x2] =	wrdreg s3  }
0xa9: {  	[dreg:$0x3] =	wrdreg s5  }
0xaa: {  	[dreg:$0x4] =	wrdreg $0xC0  }
0xab: {  	_ =	task [dreg:s7], $0x5FFFF  }
0xac: {  	[dreg:$0x1] =	wrdreg $0xFFFFFFFF  }
0xad: {  	[dreg:$0x0] =	wrdreg $0x60  }
0xae: {  	[dreg:$0x2] =	wrdreg s24  }
0xaf: {  	[dreg:$0x3] =	wrdreg s2  }
0xb0: {  	[dreg:$0x4] =	wrdreg $0x7B000  }
0xb1: {  	[dreg:$0x5] =	wrdreg $0x9  }
0xb2: {  	_ =	task.clear_ibuf [dreg:s7], $0x6FFFF;
	_ =	strace $0x90000049  }
0xb3: {  	s29 =	simm.s32 $0x9;
	_ =	strace $0x8000004B  }
0xb4: {  	_ =	swait.ge [sflag:s29], $0x1  }
0xb5: {  	[sflag:s29] =	ssyncadd.s32 $0xFFFFFFFF  }
0xb6: {  	_ =	strace $0x9000004B  }
0xb7: {  	_ =	sfence  }
0xb8: {  	s30 =	sld [smem:$0x0];
	_ =	sdelay $0x2  }
0xb9: {  	s31 =	sshll.u32 s1, $0xD;
	s1 =	sshrl.u32 s1, $0x2  }
0xba: {  	s3 =	sand.u32 $0x4000, s31;
	s1 =	sadd.s32 s1, s30  }
0xbb: {  	s0 =	sor.u32 s3, s0;
	s1 =	sshll.u32 s1, $0x11  }
0xbc: {  	s0 =	sor.u32 s1, s0  }
0xbd: {  	s0 =	sadd.s32 $0x8F2B, s0  }
0xbe: {  	[sflag:s0] =	ssyncadd.remote.s32 $0x1  }
0xbf: {  	_ =	sfence.sel $0xFFFF  }
0xc0: {  	[dreg:$0x0] =	wrdreg $0xFFFFFFFF;
	(pc) =	sbr.abs _section_cstart, $3  }
0xc1: {  	[dreg:$0x1] =	wrdreg $0xFFFFFFFF  }
0xc2: {  	_ =	task.clear_ibuf [dreg:s7], $0x2FFFF;
	_ =	strace $0x9FFFFFFF  }
0xc3: {  	(tm) =	ssettm $0x7FFFFFFF  }
tec
execute0_lowered:
.L_overlay_start_1:
0x0: {  	(tag) =	ssettag $0x1  }
0x1: {  	s0 =	rddreg [dreg:$0x0]  }
0x2: {  	s2 =	rddreg [dreg:$0x2]  }
0x3: {  	s1 =	srdreg.scid;
	s4 =	simm.s32 $0x0;
	s11 =	stileid.u32  }
0x4: {  	s28 =	simm.s32 $0x7;
	s29 =	simm.s32 $0x50;
	s30 =	simm.s32 $0x300  }
0x5: {  	s31 =	simm.s32 $0x8;
	s1 =	sand.u32 $0x1, s1;
	s7 =	smul.u32 $0x14000, s11  }
0x6: {  	[smem:$0x7FF] =	sst s4;
	s5 =	sadd.s32 $0x34C00, s0;
	s8 =	smul.u32 $0x50000, s11  }
0x7: {  	s6 =	sadd.s32 $0x2AE00, s0;
	s10 =	smul.u32 $0x2710, s11;
	s22 =	sshll.u32 s11, $0x6  }
0x8: {  	s3 =	smul.u32 $0x140000, s1;
	_ =	strace $0x8000004A;
	s21 =	ssub.s32 $0x2, s1  }
0x9: {  	s1 =	smul.u32 $0x27100, s1;
	s17 =	sor.u32 $0x1C0D, s22;
	s9 =	sshrl.u32 s21, $0x1  }
0xa: {  	s8 =	sshrl.u32 s8, $0x2;
	[dreg:$0x9] =	wrdreg s17;
	s3 =	sadd.s32 s7, s3  }
0xb: {  	s7 =	sadd.s32 $0x21000, s0;
	s12 =	sadd.s32 s8, s2;
	s1 =	sadd.s32 s10, s1  }
0xc: {  	s3 =	sshrl.u32 s3, $0x3;
	s8 =	sadd.s32 $0x4000, s12;
	s10 =	sadd.s32 $0xC000, s12  }
0xd: {  	s23 =	sshrl.u32 s1, $0x3;
	[dreg:$0x8] =	wrdreg s12;
	s24 =	sadd.s32 $0xA0, s1  }
0xe: {  	s15 =	sadd.s32 $0x140, s1;
	s18 =	sadd.s32 $0x190, s1;
	s22 =	sadd.s32 $0xF0, s1  }
0xf: {  	s0 =	sadd.s32 s3, s0;
	s3 =	ssub.s32 s21, s9;
	s9 =	sadd.s32 $0x8000, s12  }
0x10: {  	s12 =	sadd.s32 $0x10000, s12;
	s13 =	sadd.s32 s6, s23;
	s14 =	sadd.s32 $0xA, s23  }
0x11: {  	s15 =	sshrl.u32 s15, $0x3;
	s11 =	sadd.s32 s7, s23;
	[dreg:$0x11] =	wrdreg s22  }
0x12: {  	s20 =	sshrl.u32 s18, $0x3;
	s18 =	simm.s32 $0xD;
	[dreg:$0xa] =	wrdreg s13  }
0x13: {  	s23 =	sshrl.u32 s8, $0x3;
	s8 =	simm.s32 $0x0;
	[dreg:$0xd] =	wrdreg s11  }
0x14: {  	s13 =	sshrl.u32 s24, $0x3;
	s16 =	sadd.s32 s6, s14;
	[dreg:$0x12] =	wrdreg s23  }
0x15: {  	s26 =	sadd.s32 s7, s14;
	s14 =	sadd.s32 s15, s7;
	[dreg:$0xb] =	wrdreg s16  }
0x16: {  	s0 =	sadd.s32 $0x82E00, s0;
	s21 =	sadd.s32 s20, s6;
	[dreg:$0xe] =	wrdreg s26  }
0x17: {  	s3 =	smax.u32 s3, $0x1;
	s24 =	sshrl.u32 s9, $0x3;
	[dreg:$0x4] =	wrdreg s14  }
0x18: {  	s23 =	simm.s32 $0x80;
	s11 =	simm.s32 $0x280;
	[dreg:$0xf] =	wrdreg s0  }
0x19: {  	s20 =	simm.s32 $0xC;
	s25 =	sadd.s32 s6, s13;
	[dreg:$0x10] =	wrdreg s3  }
0x1a: {  	s16 =	sadd.s32 s15, s6;
	s19 =	sadd.s32 s13, s7;
	[dreg:$0x7] =	wrdreg s21  }
0x1b: {  	[dreg:$0x13] =	wrdreg s24;
	s26 =	sshrl.u32 s12, $0x3;
	s24 =	simm.s32 $0x100  }
0x1c: {  	s0 =	simm.s32 $0x2B00;
	s3 =	simm.s32 $0x1;
	[dreg:$0xc] =	wrdreg s25  }
0x1d: {  	s12 =	simm.s32 $0x9;
	s13 =	simm.s32 $0x5300;
	[dreg:$0x5] =	wrdreg s16  }
0x1e: {  	s14 =	simm.s32 $0x2;
	s15 =	simm.s32 $0xB;
	[dreg:$0x6] =	wrdreg s19  }
0x1f: {  	s21 =	simm.s32 $0x5;
	s25 =	sshrl.u32 s10, $0x3;
	[dreg:$0x15] =	wrdreg s26  }
0x20: {  	s26 =	simm.s32 $0x200;
	s10 =	simm.s32 $0xA;
	s16 =	simm.s32 $0x4  }
0x21: {  	s19 =	simm.s32 $0x3;
	[dreg:$0x14] =	wrdreg s25;
	s25 =	simm.s32 $0x180  }
.LBB2_1:
0x22: {  	[dreg:$0x16] =	wrdreg s8  }
0x23: {  	s1 =	rddreg [dreg:$0x8]  }
0x24: {  	s9 =	sshrl.u32 s1, $0x3;
	s1 =	rddreg [dreg:$0x1]  }
0x25: {  	[dreg:$0x17] =	wrdreg s9  }
0x26: {  	[spmem:s9], [sflag:s17] =	dma.local [hbm:s1], $0x800  }
0x27: {  	_ =	swait.ge [sflag:s18], $0x800  }
0x28: {  	[sflag:s18] =	ssyncset.done $0x0  }
0x29: {  	s22 =	rddreg [dreg:$0x12];
	[sflag:s18] =	ssyncadd.s32 $0xFFFFF800  }
0x2a: {  	[spmem:s22], [sflag:s17] =	dma.local [hbm:s1], $0x800  }
0x2b: {  	_ =	swait.ge [sflag:s18], $0x800  }
0x2c: {  	[sflag:s18] =	ssyncset.done $0x0  }
0x2d: {  	s9 =	rddreg [dreg:$0x13];
	[sflag:s18] =	ssyncadd.s32 $0xFFFFF800  }
0x2e: {  	[spmem:s9], [sflag:s17] =	dma.local [hbm:s1], $0x800  }
0x2f: {  	_ =	swait.ge [sflag:s18], $0x800  }
0x30: {  	[sflag:s18] =	ssyncset.done $0x0  }
0x31: {  	s22 =	rddreg [dreg:$0x14];
	[sflag:s18] =	ssyncadd.s32 $0xFFFFF800  }
0x32: {  	[spmem:s22], [sflag:s17] =	dma.local [hbm:s1], $0x800  }
0x33: {  	_ =	swait.ge [sflag:s18], $0x800  }
0x34: {  	[sflag:s18] =	ssyncset.done $0x0  }
0x35: {  	s9 =	rddreg [dreg:$0x15];
	[sflag:s18] =	ssyncadd.s32 $0xFFFFF800  }
0x36: {  	[spmem:s9], [sflag:s17] =	dma.local [hbm:s1], $0x800  }
0x37: {  	_ =	swait.ge [sflag:s18], $0x800  }
0x38: {  	[sflag:s18] =	ssyncset.done $0x0  }
0x39: {  	[sflag:s18] =	ssyncadd.s32 $0xFFFFF800  }
0x3a: {  	[bflag:$0x0] =	sbarrier.arrive $0xFFFF  }
0x3b: {  	s22 =	rddreg [dreg:$0xa]  }
0x3c: {  	[tilespmem:s4], [sflag:$0x7] =	stream.linear.gather [hbm4b:s22+s4], $0x50, $0x38;
	[tilespmem:$0x1BB00] =	vst v63  }
0x3d: {  	s8 =	rddreg [dreg:$0xb]  }
0x3e: {  	[tilespmem:s23], [sflag:$0x8] =	stream.linear.gather [hbm4b:s8+s4], $0x50, $0x38;
	[tilespmem:$0x1BB00] =	vst v63  }
0x3f: {  	s9 =	rddreg [dreg:$0xc]  }
0x40: {  	[tilespmem:s24], [sflag:$0x9] =	stream.linear.gather [hbm4b:s9+s4], $0x50, $0x38;
	[tilespmem:$0x1BB00] =	vst v63  }
0x41: {  	s17 =	rddreg [dreg:$0xd]  }
0x42: {  	[tilespmem:s25], [sflag:$0xA] =	stream.linear.gather [hbm4b:s17+s4], $0x50, $0x38;
	[tilespmem:$0x1BB00] =	vst v63  }
0x43: {  	s18 =	rddreg [dreg:$0xe]  }
0x44: {  	[tilespmem:s26], [sflag:$0xB] =	stream.linear.gather [hbm4b:s18+s4], $0x50, $0x38;
	[tilespmem:$0x1BB00] =	vst v63  }
0x45: {  	_ =	swait.ge [sflag:s28], $0x50  }
0x46: {  	[sflag:s28] =	ssyncset.done $0x0  }
0x47: {  	[sflag:s28] =	ssyncadd.s32 $0xFFFFFFB0  }
0x48: {  	[tilespmem:s30], [sflag:$0x1] =	stream.indirect.gather [hbm4b:s5+s29], $0x80, s4, s29, $0xb8;
	[tilespmem:$0x1BB00] =	vst v63  }
0x49: {  	_ =	swait.ge [sflag:s31], $0x50  }
0x4a: {  	[sflag:s31] =	ssyncset.done $0x0  }
0x4b: {  	[sflag:s31] =	ssyncadd.s32 $0xFFFFFFB0  }
0x4c: {  	[tilespmem:s0], [sflag:$0x2] =	stream.indirect.gather [hbm4b:s5+s29], $0x80, s23, s29, $0xb8;
	[tilespmem:$0x1BB00] =	vst v63  }
0x4d: {  	_ =	swait.ge [sflag:s3], $0x2800  }
0x4e: {  	s8 =	rddreg [dreg:$0x11]  }
0x4f: {  	[sflag:s3] =	ssyncset.done $0x0;
	s1 =	sshrl.u32 s8, $0x3  }
0x50: {  	[sflag:s3] =	ssyncadd.s32 $0xFFFFD800;
	s9 =	sadd.s32 s6, s1  }
0x51: {  	[tilespmem:s4], [sflag:$0x7] =	stream.linear.gather [hbm4b:s9+s4], $0x50, $0x38;
	[tilespmem:$0x1BB00] =	vst v63  }
0x52: {  	_ =	swait.ge [sflag:s10], $0x50  }
0x53: {  	p0 =	por $0x1, $0x1;
	[sflag:s10] =	ssyncset.done $0x0  }
0x54: {  	s9 =	simm.s32 @!p0 $0x6;
	[sflag:s10] =	ssyncadd.s32 $0xFFFFFFB0  }
0x55: {  	[spmem:s2] =	stream.indirect.scatter.add.f32 [tilespmem:s30], [sflag:$0x4], $0x80, s25, s29, $0xb8;
	[tilespmem:$0x1BB00] =	vst v63  }
0x56: {  	_ =	swait.ge @!p0 [sflag:s9], $0x2800  }
0x57: {  	s22 =	rddreg [dreg:$0x6];
	[sflag:s9] =	ssyncset.done @!p0 $0x0  }
0x58: {  	[sflag:s9] =	ssyncadd.s32 @!p0 $0xFFFFD800;
	s17 =	sadd.s32 $0x0, s22  }
0x59: {  	[tilespmem:s11], [sflag:$0xC] =	stream.linear.gather [hbm4b:s17+s4], $0x50, $0x38;
	[tilespmem:$0x1BB00] =	vst v63  }
0x5a: {  	_ =	swait.ge [sflag:s12], $0x50  }
0x5b: {  	[sflag:s12] =	ssyncset.done $0x0  }
0x5c: {  	[sflag:s12] =	ssyncadd.s32 $0xFFFFFFB0  }
0x5d: {  	[tilespmem:s13], [sflag:$0x3] =	stream.indirect.gather [hbm4b:s5+s29], $0x80, s24, s29, $0xb8;
	[tilespmem:$0x1BB00] =	vst v63  }
0x5e: {  	_ =	swait.ge [sflag:s14], $0x2800  }
0x5f: {  	s18 =	rddreg [dreg:$0x5];
	[sflag:s14] =	ssyncset.done $0x0  }
0x60: {  	[sflag:s14] =	ssyncadd.s32 $0xFFFFD800;
	s9 =	sadd.s32 $0x0, s18  }
0x61: {  	[tilespmem:s23], [sflag:$0x8] =	stream.linear.gather [hbm4b:s9+s4], $0x50, $0x38;
	[tilespmem:$0x1BB00] =	vst v63  }
0x62: {  	_ =	swait.ge [sflag:s15], $0x50  }
0x63: {  	[sflag:s15] =	ssyncset.done $0x0  }
0x64: {  	[sflag:s15] =	ssyncadd.s32 $0xFFFFFFB0  }
0x65: {  	[spmem:s2] =	stream.indirect.scatter.add.f32 [tilespmem:s0], [sflag:$0x5], $0x80, s26, s29, $0xb8;
	[tilespmem:$0x1BB00] =	vst v63  }
0x66: {  	_ =	swait.ge [sflag:s16], $0x2800  }
0x67: {  	[sflag:s16] =	ssyncset.done $0x0  }
0x68: {  	s1 =	sadd.s32 s7, s1;
	[sflag:s16] =	ssyncadd.s32 $0xFFFFD800  }
0x69: {  	[tilespmem:s25], [sflag:$0xA] =	stream.linear.gather [hbm4b:s1+s4], $0x50, $0x38;
	[tilespmem:$0x1BB00] =	vst v63  }
0x6a: {  	_ =	swait.ge [sflag:s28], $0x50  }
0x6b: {  	[sflag:s28] =	ssyncset.done $0x0  }
0x6c: {  	[sflag:s28] =	ssyncadd.s32 $0xFFFFFFB0  }
0x6d: {  	[tilespmem:s30], [sflag:$0x1] =	stream.indirect.gather [hbm4b:s5+s29], $0x80, s4, s29, $0xb8;
	[tilespmem:$0x1BB00] =	vst v63  }
0x6e: {  	p0 =	por $0x0, $0x0;
	_ =	swait.ge [sflag:s19], $0x2800  }
0x6f: {  	s17 =	simm.s32 @!p0 $0x100;
	s1 =	rddreg [dreg:$0x7];
	[sflag:s19] =	ssyncset.done $0x0  }
0x70: {  	s9 =	simm.s32 @!p0 $0x0;
	[sflag:s19] =	ssyncadd.s32 $0xFFFFD800;
	s1 =	sadd.s32 @!p0 $0x0, s1  }
0x71: {  	[tilespmem:s17], [sflag:$0x9] =	stream.linear.gather @!p0 [hbm4b:s1+s9], $0x50, $0x38;
	[tilespmem:$0x1BB00] =	vst v63  }
0x72: {  	_ =	swait.ge [sflag:s20], $0x50  }
0x73: {  	[sflag:s20] =	ssyncset.done $0x0  }
0x74: {  	[sflag:s20] =	ssyncadd.s32 $0xFFFFFFB0  }
0x75: {  	[spmem:s2] =	stream.indirect.scatter.add.f32 [tilespmem:s13], [sflag:$0x6], $0x80, s11, s29, $0xb8;
	[tilespmem:$0x1BB00] =	vst v63  }
0x76: {  	_ =	swait.ge [sflag:s21], $0x2800  }
0x77: {  	s22 =	rddreg [dreg:$0x4];
	[sflag:s21] =	ssyncset.done $0x0  }
0x78: {  	[sflag:s21] =	ssyncadd.s32 $0xFFFFD800;
	s1 =	sadd.s32 $0x0, s22  }
0x79: {  	[tilespmem:s26], [sflag:$0xB] =	stream.linear.gather [hbm4b:s1+s4], $0x50, $0x38;
	[tilespmem:$0x1BB00] =	vst v63  }
0x7a: {  	_ =	swait.ge [sflag:s31], $0x50  }
0x7b: {  	s17 =	simm.s32 $0x1E;
	s1 =	smov.u32 s8;
	[sflag:s31] =	ssyncset.done $0x0  }
.LBB2_2:
0x7c: {  	[sflag:s31] =	ssyncadd.s32 $0xFFFFFFB0  }
0x7d: {  	[tilespmem:s0], [sflag:$0x2] =	stream.indirect.gather [hbm4b:s5+s29], $0x80, s23, s29, $0xb8;
	[tilespmem:$0x1BB00] =	vst v63  }
0x7e: {  	s1 =	sadd.s32 $0xF0, s1;
	_ =	swait.ge [sflag:s3], $0x2800  }
0x7f: {  	s9 =	sshrl.u32 s1, $0x3;
	[sflag:s3] =	ssyncset.done $0x0  }
0x80: {  	s8 =	sadd.s32 s6, s9;
	[sflag:s3] =	ssyncadd.s32 $0xFFFFD800  }
0x81: {  	[tilespmem:s4], [sflag:$0x7] =	stream.linear.gather [hbm4b:s8+s4], $0x50, $0x38;
	[tilespmem:$0x1BB00] =	vst v63  }
0x82: {  	s22 =	smov.u32 s17;
	_ =	swait.ge [sflag:s10], $0x50  }
0x83: {  	p1 =	seq.s32 s22, $0x0;
	[sflag:s10] =	ssyncset.done $0x0  }
0x84: {  	s8 =	simm.s32 @!p1 $0x6;
	[sflag:s10] =	ssyncadd.s32 $0xFFFFFFB0  }
0x85: {  	[spmem:s2] =	stream.indirect.scatter.add.f32 [tilespmem:s30], [sflag:$0x4], $0x80, s25, s29, $0xb8;
	[tilespmem:$0x1BB00] =	vst v63  }
0x86: {  	_ =	swait.ge @!p1 [sflag:s8], $0x2800  }
0x87: {  	[sflag:s8] =	ssyncset.done @!p1 $0x0;
	s18 =	rddreg [dreg:$0x6]  }
0x88: {  	[sflag:s8] =	ssyncadd.s32 @!p1 $0xFFFFD800;
	s18 =	sadd.s32 s22, s18  }
0x89: {  	[tilespmem:s11], [sflag:$0xC] =	stream.linear.gather [hbm4b:s18+s4], $0x50, $0x38;
	[tilespmem:$0x1BB00] =	vst v63  }
0x8a: {  	_ =	swait.ge [sflag:s12], $0x50  }
0x8b: {  	[sflag:s12] =	ssyncset.done $0x0  }
0x8c: {  	[sflag:s12] =	ssyncadd.s32 $0xFFFFFFB0  }
0x8d: {  	[tilespmem:s13], [sflag:$0x3] =	stream.indirect.gather [hbm4b:s5+s29], $0x80, s24, s29, $0xb8;
	[tilespmem:$0x1BB00] =	vst v63  }
0x8e: {  	_ =	swait.ge [sflag:s14], $0x2800  }
0x8f: {  	s18 =	rddreg [dreg:$0x5];
	[sflag:s14] =	ssyncset.done $0x0  }
0x90: {  	[sflag:s14] =	ssyncadd.s32 $0xFFFFD800;
	s8 =	sadd.s32 s22, s18  }
0x91: {  	[tilespmem:s23], [sflag:$0x8] =	stream.linear.gather [hbm4b:s8+s4], $0x50, $0x38;
	[tilespmem:$0x1BB00] =	vst v63  }
0x92: {  	_ =	swait.ge [sflag:s15], $0x50  }
0x93: {  	[sflag:s15] =	ssyncset.done $0x0  }
0x94: {  	[sflag:s15] =	ssyncadd.s32 $0xFFFFFFB0  }
0x95: {  	[spmem:s2] =	stream.indirect.scatter.add.f32 [tilespmem:s0], [sflag:$0x5], $0x80, s26, s29, $0xb8;
	[tilespmem:$0x1BB00] =	vst v63  }
0x96: {  	_ =	swait.ge [sflag:s16], $0x2800  }
0x97: {  	[sflag:s16] =	ssyncset.done $0x0  }
0x98: {  	s9 =	sadd.s32 s7, s9;
	[sflag:s16] =	ssyncadd.s32 $0xFFFFD800  }
0x99: {  	[tilespmem:s25], [sflag:$0xA] =	stream.linear.gather [hbm4b:s9+s4], $0x50, $0x38;
	[tilespmem:$0x1BB00] =	vst v63  }
0x9a: {  	_ =	swait.ge [sflag:s28], $0x50  }
0x9b: {  	[sflag:s28] =	ssyncset.done $0x0  }
0x9c: {  	[sflag:s28] =	ssyncadd.s32 $0xFFFFFFB0  }
0x9d: {  	[tilespmem:s30], [sflag:$0x1] =	stream.indirect.gather [hbm4b:s5+s29], $0x80, s4, s29, $0xb8;
	[tilespmem:$0x1BB00] =	vst v63  }
0x9e: {  	p1 =	seq.s32 s22, $0x4B0;
	_ =	swait.ge [sflag:s19], $0x2800  }
0x9f: {  	s18 =	simm.s32 @!p1 $0x100;
	s8 =	rddreg [dreg:$0x7];
	[sflag:s19] =	ssyncset.done $0x0  }
0xa0: {  	s9 =	simm.s32 @!p1 $0x0;
	[sflag:s19] =	ssyncadd.s32 $0xFFFFD800;
	s8 =	sadd.s32 @!p1 s22, s8  }
0xa1: {  	[tilespmem:s18], [sflag:$0x9] =	stream.linear.gather @!p1 [hbm4b:s8+s9], $0x50, $0x38;
	[tilespmem:$0x1BB00] =	vst v63  }
0xa2: {  	_ =	swait.ge [sflag:s20], $0x50  }
0xa3: {  	[sflag:s20] =	ssyncset.done $0x0  }
0xa4: {  	s17 =	sadd.s32 $0x1E, s17;
	[sflag:s20] =	ssyncadd.s32 $0xFFFFFFB0  }
0xa5: {  	[spmem:s2] =	stream.indirect.scatter.add.f32 [tilespmem:s13], [sflag:$0x6], $0x80, s11, s29, $0xb8;
	[tilespmem:$0x1BB00] =	vst v63  }
0xa6: {  	p0 =	sne.s32 s17, $0x4CE;
	_ =	swait.ge [sflag:s21], $0x2800  }
.Ltmp0:
0xa7: {  	s18 =	rddreg [dreg:$0x4];
	[sflag:s21] =	ssyncset.done $0x0;
	(pc) =	sbr.rel @p0 .LBB2_2-.Ltmp0, $4  }
0xa8: {  	[sflag:s21] =	ssyncadd.s32 $0xFFFFD800;
	s8 =	sadd.s32 s22, s18  }
0xa9: {  	[tilespmem:s26], [sflag:$0xB] =	stream.linear.gather [hbm4b:s8+s4], $0x50, $0x38;
	[tilespmem:$0x1BB00] =	vst v63  }
0xaa: {  	_ =	swait.ge [sflag:s31], $0x50  }
0xab: {  	[sflag:s31] =	ssyncset.done $0x0  }
0xac: {  	[sflag:s31] =	ssyncadd.s32 $0xFFFFFFB0  }
0xad: {  	[tilespmem:s0], [sflag:$0x2] =	stream.indirect.gather [hbm4b:s5+s29], $0x80, s23, s29, $0xb8;
	[tilespmem:$0x1BB00] =	vst v63  }
0xae: {  	_ =	swait.ge [sflag:s3], $0x2800  }
0xaf: {  	[sflag:s3] =	ssyncset.done $0x0  }
0xb0: {  	[sflag:s3] =	ssyncadd.s32 $0xFFFFD800  }
0xb1: {  	_ =	swait.ge [sflag:s10], $0x50  }
0xb2: {  	[sflag:s10] =	ssyncset.done $0x0  }
0xb3: {  	[sflag:s10] =	ssyncadd.s32 $0xFFFFFFB0  }
0xb4: {  	[spmem:s2] =	stream.indirect.scatter.add.f32 [tilespmem:s30], [sflag:$0x4], $0x80, s25, s29, $0xb8;
	[tilespmem:$0x1BB00] =	vst v63  }
0xb5: {  	_ =	swait.ge [sflag:s14], $0x2800  }
0xb6: {  	[sflag:s14] =	ssyncset.done $0x0  }
0xb7: {  	[sflag:s14] =	ssyncadd.s32 $0xFFFFD800  }
0xb8: {  	_ =	swait.ge [sflag:s15], $0x50  }
0xb9: {  	[sflag:s15] =	ssyncset.done $0x0  }
0xba: {  	s1 =	simm.s32 $0x6;
	[sflag:s15] =	ssyncadd.s32 $0xFFFFFFB0  }
0xbb: {  	[spmem:s2] =	stream.indirect.scatter.add.f32 [tilespmem:s0], [sflag:$0x5], $0x80, s26, s29, $0xb8;
	[tilespmem:$0x1BB00] =	vst v63  }
0xbc: {  	_ =	swait.ge [sflag:s1], $0x2800  }
0xbd: {  	[sflag:s1] =	ssyncset.done $0x0  }
0xbe: {  	[sflag:s1] =	ssyncadd.s32 $0xFFFFD800  }
0xbf: {  	_ =	swait.ge [sflag:s16], $0x2800  }
0xc0: {  	[sflag:s16] =	ssyncset.done $0x0  }
0xc1: {  	[sflag:s16] =	ssyncadd.s32 $0xFFFFD800  }
0xc2: {  	_ =	swait.ge [sflag:s21], $0x2800  }
0xc3: {  	[sflag:s21] =	ssyncset.done $0x0  }
0xc4: {  	[sflag:s21] =	ssyncadd.s32 $0xFFFFD800  }
0xc5: {  	[bflag:$0x0] =	sbarrier.arrive $0xFFFF  }
0xc6: {  	s17 =	rddreg [dreg:$0x9]  }
0xc7: {  	s22 =	rddreg [dreg:$0xf]  }
0xc8: {  	s18 =	simm.s32 $0xD;
	s8 =	rddreg [dreg:$0x17]  }
0xc9: {  	[hbm:s22], [sflag:s17] =	dma.local [spmem:s8], $0x2800  }
0xca: {  	_ =	swait.ge [sflag:s18], $0x2800  }
0xcb: {  	s9 =	rddreg [dreg:$0x16]  }
0xcc: {  	s22 =	rddreg [dreg:$0x10];
	s8 =	sadd.s32 $0x1, s9  }
0xcd: {  	p0 =	sne.s32 s8, s22  }
.Ltmp1:
0xce: {  	_ = 	snop;
	(pc) =	sbr.rel @p0 .LBB2_1-.Ltmp1, $3  }
0xcf: {  	_ =	sdelay $0x1  }
0xd0: {  	[sflag:s18] =	ssyncset.done $0x0  }
0xd1: {  	[sflag:s18] =	ssyncadd.s32 $0xFFFFD800  }
0xd2: {  	_ =	sfence.sel $0x180000  }
0xd3: {  	[bflag:$0x0] =	sbarrier.arrive $0xFFFF  }
0xd4: {  	_ =	strace $0x9000004A  }
0xd5: {  	s0 =	stileid.u32;
	[bflag:$0x2] =	sbarrier.arrive $0xFFFF  }
0xd6: {  	p0 =	sne.s32 s0, $0x0;
	s0 =	rddreg [dreg:$0x3]  }
0xd7: {  	s0 =	sadd.s32 @!p0 $0x100000, s0  }
0xd8: {  	[sflag:s0] =	ssyncadd.tile.s32 @!p0 $0x1;
	_ =	shalt  }
.Lfunc_end2:
_tile_overlayer_lowered:
.L_overlay_start_2:
0xd9: {  	(tag) =	ssettag $0x2  }
0xda: {  	s0 =	rddreg [dreg:$0x0];
	s2 =	stileid.u32  }
0xdb: {  	s1 =	rddreg [dreg:$0x1];
	p0 =	sne.s32 s2, $0x0  }
0xdc: {  	s3 =	rddreg [dreg:$0x2];
	[bflag:$0x3] =	sbarrier.arrive $0xFFFF;
	s2 =	simm.s32 @!p0 $0x1C0D  }
0xdd: {  	[timem:s3], [sflag:s2] =	dma.local @!p0 [hbm:s0], s1  }
0xde: {  	s0 =	simm.s32 @!p0 $0xD  }
0xdf: {  	_ =	swait.ge @!p0 [sflag:s0], s1  }
0xe0: {  	s1 =	ssub.s32 @!p0 $0x0, s1;
	[sflag:s0] =	ssyncset.done @!p0 $0x0  }
0xe1: {  	[sflag:s0] =	ssyncadd.s32 @!p0 s1  }
0xe2: {  	[bflag:$0x3] =	sbarrier.arrive $0xFFFF  }
0xe3: {  	_ =	shalt  }

</sc_bundles>
